<compile_context>
chip_gen: v7x
topology: tpu7x:2x2x1
jax: 0.10.2.dev20260603
libtpu: 0.0.44.dev20260713+nightly
codegen_flags: <defaults>
</compile_context>

<pallas_src>
import functools

import jax
import jax.numpy as jnp
from jax import lax
from jax.experimental import pallas as pl
from jax.experimental.pallas import tpu as pltpu
from jax.experimental.pallas import tpu_sc as plsc

N = 10000
D = 128
E = 320000

NC = 2
NS = 16
NW = NC * NS
L = 16

N_PAD = NW * 384
N_G = 10240
WIN = N_G // NC
TRASH = 2048
E_PAD = NW * 10240
NODE_CHUNKS = 3
RING = 3
CH = 32
ROWS_PW = N_PAD // NW
EROWS_PS = E_PAD // 128 // NS
NCH = EROWS_PS // CH
GROWS_PS = (WIN + TRASH) // NS
WROWS_PS = WIN // NS

_MESH = plsc.VectorSubcoreMesh(
    core_axis_name="c", subcore_axis_name="s", num_cores=NC, num_subcores=NS)


def _sc_gather_e(emb, nids_1d):

  @functools.partial(
      pl.kernel,
      out_type=jax.ShapeDtypeStruct((N_PAD, D), jnp.float32),
      mesh=_MESH,
      scratch_types=[
          pltpu.VMEM((ROWS_PW,), jnp.int32),
          pltpu.VMEM((ROWS_PW, D), jnp.float32),
          pltpu.SemaphoreType.DMA,
      ],
  )
  def k(emb_hbm, nids_hbm, e_hbm, idx_v, rows_v, sem):
    cid = lax.axis_index("c")
    sid = lax.axis_index("s")
    wid = cid * NS + sid
    pltpu.sync_copy(nids_hbm.at[pl.ds(wid * ROWS_PW, ROWS_PW)], idx_v)
    descs = [
        pltpu.async_copy(emb_hbm.at[idx_v.at[pl.ds(c * 128, 128)]],
                         rows_v.at[pl.ds(c * 128, 128)], sem)
        for c in range(NODE_CHUNKS)
    ]
    for d in descs:
      d.wait()
    pltpu.sync_copy(rows_v, e_hbm.at[pl.ds(wid * ROWS_PW, ROWS_PW)])

  return k(emb, nids_1d)


def _sc_edge_agg(e, src_2d, dst_2d):

  @functools.partial(
      pl.kernel,
      out_type=jax.ShapeDtypeStruct((N_G, D), jnp.float32),
      mesh=_MESH,
      scratch_types=[
          pltpu.VMEM((2 * CH, 128), jnp.int32),
          pltpu.VMEM((2 * CH, 128), jnp.int32),
          pltpu.VMEM((RING * 128, D), jnp.float32),
          pltpu.VMEM_SHARED((WIN + TRASH, D), jnp.float32),
          pltpu.SemaphoreType.DMA,
          pltpu.SemaphoreType.DMA,
          pltpu.SemaphoreType.DMA,
      ],
  )
  def k(e_hbm, src_hbm, dst_hbm, g_hbm, src_v, dst_v, rows_v, g_sh,
        sem_g, sem_s, sem_i):
    cid = lax.axis_index("c")
    sid = lax.axis_index("s")
    base = cid * WIN

    zero16 = jnp.zeros((L,), jnp.float32)

    def zrow(i, carry):
      for j in range(D // L):
        rows_v[i, pl.ds(j * L, L)] = zero16
      return carry

    lax.fori_loop(0, 128, zrow, None)
    off0 = 0
    while off0 < GROWS_PS:
      nr = min(128, GROWS_PS - off0)
      pltpu.sync_copy(rows_v.at[pl.ds(0, nr)],
                      g_sh.at[pl.ds(sid * GROWS_PS + off0, nr)])
      off0 += nr
    plsc.subcore_barrier()

    erow0 = sid * EROWS_PS
    pltpu.sync_copy(src_hbm.at[pl.ds(erow0, CH)], src_v.at[pl.ds(0, CH)])
    pltpu.sync_copy(dst_hbm.at[pl.ds(erow0, CH)], dst_v.at[pl.ds(0, CH)])

    def chunk_body(c, carry):
      half = lax.rem(c, 2) * CH
      nxt = lax.rem(c + 1, 2) * CH

      @pl.when(c + 1 < NCH)
      def _():
        pltpu.async_copy(src_hbm.at[pl.ds(erow0 + (c + 1) * CH, CH)],
                         src_v.at[pl.ds(nxt, CH)], sem_i)
        pltpu.async_copy(dst_hbm.at[pl.ds(erow0 + (c + 1) * CH, CH)],
                         dst_v.at[pl.ds(nxt, CH)], sem_i)

      for i in range(RING):
        pltpu.async_copy(e_hbm.at[src_v.at[half + i]],
                         rows_v.at[pl.ds(i * 128, 128)], sem_g)

      def step(i, carry2):
        slot = lax.rem(i, RING)
        hi = half + i
        pltpu.make_async_copy(
            e_hbm.at[pl.ds(0, 128)],
            rows_v.at[pl.ds(slot * 128, 128)], sem_g).wait()
        for j in range(128 // L):
          d = dst_v[hi, pl.ds(j * L, L)]
          in_win = (d >= base) & (d < base + WIN)
          dst_v[hi, pl.ds(j * L, L)] = jnp.where(
              in_win, d - base, WIN + (d & (TRASH - 1)))
        pltpu.async_copy(rows_v.at[pl.ds(slot * 128, 128)],
                         g_sh.at[dst_v.at[hi]], sem_s, add=True)

        @pl.when(i + RING < CH)
        def _():
          pltpu.make_async_copy(
              e_hbm.at[pl.ds(0, 128)],
              rows_v.at[pl.ds(slot * 128, 128)], sem_s).wait()
          pltpu.async_copy(e_hbm.at[src_v.at[half + i + RING]],
                           rows_v.at[pl.ds(slot * 128, 128)], sem_g)
        return carry2

      lax.fori_loop(0, CH, step, None)
      for i in range(RING):
        pltpu.make_async_copy(
            e_hbm.at[pl.ds(0, 128)],
            rows_v.at[pl.ds(i * 128, 128)], sem_s).wait()

      @pl.when(c + 1 < NCH)
      def _():
        pltpu.make_async_copy(src_hbm.at[pl.ds(0, CH)],
                              src_v.at[pl.ds(0, CH)], sem_i).wait()
        pltpu.make_async_copy(dst_hbm.at[pl.ds(0, CH)],
                              dst_v.at[pl.ds(0, CH)], sem_i).wait()
      return carry

    lax.fori_loop(0, NCH, chunk_body, None)
    plsc.subcore_barrier()

    pltpu.sync_copy(g_sh.at[pl.ds(sid * WROWS_PS, WROWS_PS)],
                    g_hbm.at[pl.ds(base + sid * WROWS_PS, WROWS_PS)])

  return k(e, src_2d, dst_2d)


TB = 512
TC_GRID = N_G // TB


def _tc_body(e_ref, g_ref, w_ref, m_ref, o_ref, acc_ref):
  b = pl.program_id(0)
  x = e_ref[...]
  s = lax.dot_general(x, w_ref[...], (((1,), (1,)), ((), ())),
                      preferred_element_type=jnp.float32)
  s += lax.dot_general(g_ref[...], m_ref[...], (((1,), (1,)), ((), ())),
                       preferred_element_type=jnp.float32)
  s = jnp.maximum(s, 0.0)
  row = b * TB + lax.broadcasted_iota(jnp.int32, (TB, 1), 0)
  s = jnp.where(row < N, s, 0.0)

  @pl.when(b == 0)
  def _():
    acc_ref[...] = jnp.zeros((8, D), jnp.float32)

  acc_ref[...] += jnp.sum(s.reshape(TB // 8, 8, D), axis=0)

  @pl.when(b == TC_GRID - 1)
  def _():
    r = jnp.sum(acc_ref[...], axis=0, keepdims=True)
    mx = jnp.max(r)
    ex = jnp.exp(r - mx)
    o_ref[...] = ex / jnp.sum(ex)


def _tc_reduce(e, g, W, M):
  return pl.pallas_call(
      _tc_body,
      grid=(TC_GRID,),
      in_specs=[
          pl.BlockSpec((TB, D), lambda b: (b, 0)),
          pl.BlockSpec((TB, D), lambda b: (b, 0)),
          pl.BlockSpec((D, D), lambda b: (0, 0)),
          pl.BlockSpec((D, D), lambda b: (0, 0)),
      ],
      out_specs=pl.BlockSpec((1, D), lambda b: (0, 0)),
      out_shape=jax.ShapeDtypeStruct((1, D), jnp.float32),
      scratch_shapes=[pltpu.VMEM((8, D), jnp.float32)],
  )(e, g, W, M)


@jax.jit
def kernel(node_ids, edge_index, W, M, emb):
  nids = jnp.concatenate(
      [node_ids, jnp.zeros((N_PAD - N,), jnp.int32)]).astype(jnp.int32)
  src = jnp.concatenate(
      [edge_index[0], jnp.zeros((E_PAD - E,), jnp.int32)]).astype(jnp.int32)
  dst = jnp.concatenate(
      [edge_index[1], jnp.full((E_PAD - E,), N, jnp.int32)]).astype(jnp.int32)

  e = _sc_gather_e(emb, nids)
  g = _sc_edge_agg(e, src.reshape(E_PAD // 128, 128),
                   dst.reshape(E_PAD // 128, 128))
  out = _tc_reduce(e, g, W, M)
  return out.reshape(D, 1)

# --- scband reference (transcript-rebuilt; emitter-appended) ---
"""Pipeline reference for scband-internal-graph-convolution-layer-41051297415546 (READ-ONLY COPY).

The authoritative reference and input builder live on the scoring server;
editing this copy changes nothing except your own understanding.
"""

import jax, jax.numpy as jnp
import numpy as np

N = 10000       # nodes in the internal graph
E = 320000      # directed edges (avg degree 32)
D = 128         # node_representation_size (Graphs.node_representation_size)
VOCAB = 100000  # Graphs.unique_internal_nodes


def setup_inputs(seed: int = 0) -> dict:
    key = jax.random.key(seed)
    k1, k2, k3, k4, k5 = jax.random.split(key, 5)
    node_ids = jax.random.randint(k1, (N,), 0, VOCAB, dtype=jnp.int32)
    edge_index = jax.random.randint(k2, (2, E), 0, N, dtype=jnp.int32)
    xavier = jnp.sqrt(2.0 / (D + D))
    W = jax.random.normal(k3, (D, D), dtype=jnp.float32) * xavier
    M = jax.random.normal(k4, (D, D), dtype=jnp.float32) * xavier
    emb = jax.random.normal(k5, (VOCAB, D), dtype=jnp.float32)  # nn.Embedding default N(0,1)
    return {"node_ids": node_ids, "edge_index": edge_index, "W": W, "M": M, "emb": emb}


def reference(node_ids, edge_index, W, M, emb):
    # Per node i (with internal-type id node_ids[i]):
    #   s_i = relu( W @ e[node_ids[i]] + sum_{j in N(i)} M @ e[node_ids[j]] )
    # result = sum_i s_i ;  output = softmax(result, dim=0)
    n = node_ids.shape[0]
    e = jnp.take(emb, node_ids, axis=0)          # [N, D] embedding gather
    self_term = e @ W.T                           # (W @ e_i) for all i -> [N, D]
    src = edge_index[0]
    dst = edge_index[1]
    msg = jnp.take(e, src, axis=0) @ M.T          # (M @ e_j) per edge -> [E, D]
    agg = jax.ops.segment_sum(msg, dst, num_segments=n)  # neighbor sums -> [N, D]
    s = jax.nn.relu(self_term + agg)              # [N, D]
    result = jnp.sum(s, axis=0)                   # [D]
    out = jax.nn.softmax(result, axis=0)          # softmax over representation dim (dim=0 of [D,1])
    return out.reshape(D, 1)

if __name__ == "__main__":
    import jax
    _d = setup_inputs()
    print(jax.jit(kernel)(*tuple(_d.values())))

</pallas_src>

<mosaic_0001>
#map = affine_map<(d0, d1) -> (0, 0)>
#map1 = affine_map<(d0, d1) -> (0)>
module attributes {stable_mosaic.version = 14 : i64} {
  func.func @k(%arg0: i32, %arg1: i32, %arg2: memref<100000x128xf32, #tpu.memory_space<hbm>>, %arg3: memref<12288xi32, #tpu.memory_space<hbm>>, %arg4: memref<12288x128xf32, #tpu.memory_space<hbm>>, %arg5: memref<384xi32, #tpu.memory_space<vmem>>, %arg6: memref<384x128xf32, #tpu.memory_space<vmem>>, %arg7: memref<!tpu.dma_semaphore, #tpu.memory_space<semaphore_mem>>) attributes {dimension_semantics = [#tpu.dimension_semantics<core_parallel>, #tpu.dimension_semantics<subcore_parallel>], iteration_bounds = array<i64: 2, 16>, scalar_prefetch = 0 : i64, scratch_operands = 3 : i64, tpu.core_type = #tpu.core_type<sc_vector_subcore>, window_params = [{transform_indices = #map}, {transform_indices = #map1}, {transform_indices = #map}]} {
    %mul3A = arith.constant 16 : i32
    %mul3A_0 = arith.muli %arg0, %mul3A : i32
    %add3A = arith.addi %mul3A_0, %arg1 : i32
    %mul3A_1 = arith.constant 384 : i32
    %mul3A_2 = arith.muli %add3A, %mul3A_1 : i32
    "tpu.region"() ({
      %run_scoped3A = tpu.sem_alloc : memref<!tpu.dma_semaphore, #tpu.memory_space<semaphore_mem>>
      %dma_start3A_51 = tpu.memref_slice %arg3[%mul3A_2] : memref<12288xi32, #tpu.memory_space<hbm>> -> memref<384xi32, #tpu.memory_space<hbm>>
      %dma_start3A_52 = tpu.memref_slice %arg3[%mul3A_2] : memref<12288xi32, #tpu.memory_space<hbm>> -> memref<384xi32, #tpu.memory_space<hbm>>
      tpu.enqueue_dma source(%dma_start3A_52 : memref<384xi32, #tpu.memory_space<hbm>>) target(%arg5 : memref<384xi32, #tpu.memory_space<vmem>>) target_semaphore(%run_scoped3A : memref<!tpu.dma_semaphore, #tpu.memory_space<semaphore_mem>>)
      %dma_wait3A_53 = tpu.memref_slice %arg3[%mul3A_2] : memref<12288xi32, #tpu.memory_space<hbm>> -> memref<384xi32, #tpu.memory_space<hbm>>
      %dma_wait3A_54 = tpu.memref_slice %arg3[%mul3A_2] : memref<12288xi32, #tpu.memory_space<hbm>> -> memref<384xi32, #tpu.memory_space<hbm>>
      tpu.wait_dma2 semaphore(%run_scoped3A : memref<!tpu.dma_semaphore, #tpu.memory_space<semaphore_mem>>) src(%dma_wait3A_54 : memref<384xi32, #tpu.memory_space<hbm>>) dst(%arg5 : memref<384xi32, #tpu.memory_space<vmem>>)
      tpu.yield
    }) : () -> ()
    %dma_start3A = arith.constant 0 : i32
    %dma_start3A_3 = arith.constant 0 : i32
    %dma_start3A_4 = tpu.memref_slice %arg6[%dma_start3A, %dma_start3A_3] : memref<384x128xf32, #tpu.memory_space<vmem>> -> memref<128x128xf32, #tpu.memory_space<vmem>>
    %dma_start3A_5 = arith.constant 0 : i32
    %dma_start3A_6 = tpu.memref_slice %arg5[%dma_start3A_5] : memref<384xi32, #tpu.memory_space<vmem>> -> memref<128xi32, #tpu.memory_space<vmem>>
    %dma_start3A_7 = arith.constant 0 : i32
    %dma_start3A_8 = arith.constant 0 : i32
    %dma_start3A_9 = tpu.memref_slice %arg2[%dma_start3A_7, %dma_start3A_8] : memref<100000x128xf32, #tpu.memory_space<hbm>> -> memref<100000x128xf32, #tpu.memory_space<hbm>>
    tpu.enqueue_indirect_dma source(%dma_start3A_9 : memref<100000x128xf32, #tpu.memory_space<hbm>>) target(%dma_start3A_4 : memref<128x128xf32, #tpu.memory_space<vmem>>) offsets(%dma_start3A_6 : memref<128xi32, #tpu.memory_space<vmem>>) semaphore(%arg7 : memref<!tpu.dma_semaphore, #tpu.memory_space<semaphore_mem>>)
    %dma_start3A_10 = arith.constant 128 : i32
    %dma_start3A_11 = arith.constant 0 : i32
    %dma_start3A_12 = tpu.memref_slice %arg6[%dma_start3A_10, %dma_start3A_11] : memref<384x128xf32, #tpu.memory_space<vmem>> -> memref<128x128xf32, #tpu.memory_space<vmem>>
    %dma_start3A_13 = arith.constant 128 : i32
    %dma_start3A_14 = tpu.memref_slice %arg5[%dma_start3A_13] : memref<384xi32, #tpu.memory_space<vmem>> -> memref<128xi32, #tpu.memory_space<vmem>>
    %dma_start3A_15 = arith.constant 0 : i32
    %dma_start3A_16 = arith.constant 0 : i32
    %dma_start3A_17 = tpu.memref_slice %arg2[%dma_start3A_15, %dma_start3A_16] : memref<100000x128xf32, #tpu.memory_space<hbm>> -> memref<100000x128xf32, #tpu.memory_space<hbm>>
    tpu.enqueue_indirect_dma source(%dma_start3A_17 : memref<100000x128xf32, #tpu.memory_space<hbm>>) target(%dma_start3A_12 : memref<128x128xf32, #tpu.memory_space<vmem>>) offsets(%dma_start3A_14 : memref<128xi32, #tpu.memory_space<vmem>>) semaphore(%arg7 : memref<!tpu.dma_semaphore, #tpu.memory_space<semaphore_mem>>)
    %dma_start3A_18 = arith.constant 256 : i32
    %dma_start3A_19 = arith.constant 0 : i32
    %dma_start3A_20 = tpu.memref_slice %arg6[%dma_start3A_18, %dma_start3A_19] : memref<384x128xf32, #tpu.memory_space<vmem>> -> memref<128x128xf32, #tpu.memory_space<vmem>>
    %dma_start3A_21 = arith.constant 256 : i32
    %dma_start3A_22 = tpu.memref_slice %arg5[%dma_start3A_21] : memref<384xi32, #tpu.memory_space<vmem>> -> memref<128xi32, #tpu.memory_space<vmem>>
    %dma_start3A_23 = arith.constant 0 : i32
    %dma_start3A_24 = arith.constant 0 : i32
    %dma_start3A_25 = tpu.memref_slice %arg2[%dma_start3A_23, %dma_start3A_24] : memref<100000x128xf32, #tpu.memory_space<hbm>> -> memref<100000x128xf32, #tpu.memory_space<hbm>>
    tpu.enqueue_indirect_dma source(%dma_start3A_25 : memref<100000x128xf32, #tpu.memory_space<hbm>>) target(%dma_start3A_20 : memref<128x128xf32, #tpu.memory_space<vmem>>) offsets(%dma_start3A_22 : memref<128xi32, #tpu.memory_space<vmem>>) semaphore(%arg7 : memref<!tpu.dma_semaphore, #tpu.memory_space<semaphore_mem>>)
    %dma_wait3A = arith.constant 0 : i32
    %dma_wait3A_26 = arith.constant 0 : i32
    %dma_wait3A_27 = tpu.memref_slice %arg6[%dma_wait3A, %dma_wait3A_26] : memref<384x128xf32, #tpu.memory_space<vmem>> -> memref<128x128xf32, #tpu.memory_space<vmem>>
    %dma_wait3A_28 = arith.constant 0 : i32
    %dma_wait3A_29 = tpu.memref_slice %arg5[%dma_wait3A_28] : memref<384xi32, #tpu.memory_space<vmem>> -> memref<128xi32, #tpu.memory_space<vmem>>
    %dma_wait3A_30 = arith.constant 0 : i32
    %dma_wait3A_31 = arith.constant 0 : i32
    %dma_wait3A_32 = tpu.memref_slice %arg2[%dma_wait3A_30, %dma_wait3A_31] : memref<100000x128xf32, #tpu.memory_space<hbm>> -> memref<100000x128xf32, #tpu.memory_space<hbm>>
    tpu.wait_indirect_dma semaphore(%arg7 : memref<!tpu.dma_semaphore, #tpu.memory_space<semaphore_mem>>) src(%dma_wait3A_32 : memref<100000x128xf32, #tpu.memory_space<hbm>>) dst(%dma_wait3A_27 : memref<128x128xf32, #tpu.memory_space<vmem>>)
    %dma_wait3A_33 = arith.constant 128 : i32
    %dma_wait3A_34 = arith.constant 0 : i32
    %dma_wait3A_35 = tpu.memref_slice %arg6[%dma_wait3A_33, %dma_wait3A_34] : memref<384x128xf32, #tpu.memory_space<vmem>> -> memref<128x128xf32, #tpu.memory_space<vmem>>
    %dma_wait3A_36 = arith.constant 128 : i32
    %dma_wait3A_37 = tpu.memref_slice %arg5[%dma_wait3A_36] : memref<384xi32, #tpu.memory_space<vmem>> -> memref<128xi32, #tpu.memory_space<vmem>>
    %dma_wait3A_38 = arith.constant 0 : i32
    %dma_wait3A_39 = arith.constant 0 : i32
    %dma_wait3A_40 = tpu.memref_slice %arg2[%dma_wait3A_38, %dma_wait3A_39] : memref<100000x128xf32, #tpu.memory_space<hbm>> -> memref<100000x128xf32, #tpu.memory_space<hbm>>
    tpu.wait_indirect_dma semaphore(%arg7 : memref<!tpu.dma_semaphore, #tpu.memory_space<semaphore_mem>>) src(%dma_wait3A_40 : memref<100000x128xf32, #tpu.memory_space<hbm>>) dst(%dma_wait3A_35 : memref<128x128xf32, #tpu.memory_space<vmem>>)
    %dma_wait3A_41 = arith.constant 256 : i32
    %dma_wait3A_42 = arith.constant 0 : i32
    %dma_wait3A_43 = tpu.memref_slice %arg6[%dma_wait3A_41, %dma_wait3A_42] : memref<384x128xf32, #tpu.memory_space<vmem>> -> memref<128x128xf32, #tpu.memory_space<vmem>>
    %dma_wait3A_44 = arith.constant 256 : i32
    %dma_wait3A_45 = tpu.memref_slice %arg5[%dma_wait3A_44] : memref<384xi32, #tpu.memory_space<vmem>> -> memref<128xi32, #tpu.memory_space<vmem>>
    %dma_wait3A_46 = arith.constant 0 : i32
    %dma_wait3A_47 = arith.constant 0 : i32
    %dma_wait3A_48 = tpu.memref_slice %arg2[%dma_wait3A_46, %dma_wait3A_47] : memref<100000x128xf32, #tpu.memory_space<hbm>> -> memref<100000x128xf32, #tpu.memory_space<hbm>>
    tpu.wait_indirect_dma semaphore(%arg7 : memref<!tpu.dma_semaphore, #tpu.memory_space<semaphore_mem>>) src(%dma_wait3A_48 : memref<100000x128xf32, #tpu.memory_space<hbm>>) dst(%dma_wait3A_43 : memref<128x128xf32, #tpu.memory_space<vmem>>)
    %mul3A_49 = arith.constant 384 : i32
    %mul3A_50 = arith.muli %add3A, %mul3A_49 : i32
    "tpu.region"() ({
      %run_scoped3A = tpu.sem_alloc : memref<!tpu.dma_semaphore, #tpu.memory_space<semaphore_mem>>
      %dma_start3A_51 = arith.constant 0 : i32
      %dma_start3A_52 = tpu.memref_slice %arg4[%mul3A_50, %dma_start3A_51] : memref<12288x128xf32, #tpu.memory_space<hbm>> -> memref<384x128xf32, #tpu.memory_space<hbm>>
      %dma_start3A_53 = arith.constant 0 : i32
      %dma_start3A_54 = tpu.memref_slice %arg4[%mul3A_50, %dma_start3A_53] : memref<12288x128xf32, #tpu.memory_space<hbm>> -> memref<384x128xf32, #tpu.memory_space<hbm>>
      tpu.enqueue_dma source(%arg6 : memref<384x128xf32, #tpu.memory_space<vmem>>) target(%dma_start3A_54 : memref<384x128xf32, #tpu.memory_space<hbm>>) target_semaphore(%run_scoped3A : memref<!tpu.dma_semaphore, #tpu.memory_space<semaphore_mem>>)
      %dma_wait3A_55 = arith.constant 0 : i32
      %dma_wait3A_56 = tpu.memref_slice %arg4[%mul3A_50, %dma_wait3A_55] : memref<12288x128xf32, #tpu.memory_space<hbm>> -> memref<384x128xf32, #tpu.memory_space<hbm>>
      %dma_wait3A_57 = arith.constant 0 : i32
      %dma_wait3A_58 = tpu.memref_slice %arg4[%mul3A_50, %dma_wait3A_57] : memref<12288x128xf32, #tpu.memory_space<hbm>> -> memref<384x128xf32, #tpu.memory_space<hbm>>
      tpu.wait_dma2 semaphore(%run_scoped3A : memref<!tpu.dma_semaphore, #tpu.memory_space<semaphore_mem>>) src(%arg6 : memref<384x128xf32, #tpu.memory_space<vmem>>) dst(%dma_wait3A_58 : memref<384x128xf32, #tpu.memory_space<hbm>>)
      tpu.yield
    }) : () -> ()
    return
  }
}

#map = affine_map<(d0, d1) -> (0, 0)>
module attributes {stable_mosaic.version = 14 : i64} {
  func.func @k(%arg0: i32, %arg1: i32, %arg2: memref<12288x128xf32, #tpu.memory_space<hbm>>, %arg3: memref<2560x128xi32, #tpu.memory_space<hbm>>, %arg4: memref<2560x128xi32, #tpu.memory_space<hbm>>, %arg5: memref<10240x128xf32, #tpu.memory_space<hbm>>, %arg6: memref<64x128xi32, #tpu.memory_space<vmem>>, %arg7: memref<64x128xi32, #tpu.memory_space<vmem>>, %arg8: memref<384x128xf32, #tpu.memory_space<vmem>>, %arg9: memref<7168x128xf32, #tpu.memory_space<vmem_shared>>, %arg10: memref<!tpu.dma_semaphore, #tpu.memory_space<semaphore_mem>>, %arg11: memref<!tpu.dma_semaphore, #tpu.memory_space<semaphore_mem>>, %arg12: memref<!tpu.dma_semaphore, #tpu.memory_space<semaphore_mem>>) attributes {dimension_semantics = [#tpu.dimension_semantics<core_parallel>, #tpu.dimension_semantics<subcore_parallel>], iteration_bounds = array<i64: 2, 16>, scalar_prefetch = 0 : i64, scratch_operands = 7 : i64, tpu.core_type = #tpu.core_type<sc_vector_subcore>, window_params = [{transform_indices = #map}, {transform_indices = #map}, {transform_indices = #map}, {transform_indices = #map}]} {
    %mul3A = arith.constant 5120 : i32
    %mul3A_0 = arith.muli %arg0, %mul3A : i32
    %broadcast_in_dim3A = arith.constant 0.000000e+00 : f32
    %broadcast_in_dim3A_1 = vector.broadcast %broadcast_in_dim3A : f32 to vector<16xf32>
    %scan3A = arith.constant 0 : i32
    %scan3A_2 = arith.constant 128 : i32
    %scan3A_3 = arith.addi %scan3A, %scan3A_2 : i32
    %scan3A_4 = arith.constant 1 : i32
    scf.for %scan3A_34 = %scan3A to %scan3A_3 step %scan3A_4  : i32 {
      %swap3A = arith.index_cast %scan3A_34 : i32 to index
      %swap3A_35 = arith.constant 0 : index
      %swap3A_36 = tpu.vector_load %arg8[%swap3A, %swap3A_35] {strides = array<i32>} : memref<384x128xf32, #tpu.memory_space<vmem>>, vector<1x16xf32>,
      %swap3A_37 = vector.shape_cast %swap3A_36 : vector<1x16xf32> to vector<16xf32>
      %swap3A_38 = vector.shape_cast %broadcast_in_dim3A_1 : vector<16xf32> to vector<1x16xf32>
      tpu.vector_store %arg8[%swap3A, %swap3A_35], %swap3A_38 {strides = array<i32>} : memref<384x128xf32, #tpu.memory_space<vmem>>, vector<1x16xf32>,
      %swap3A_39 = arith.index_cast %scan3A_34 : i32 to index
      %swap3A_40 = arith.constant 16 : index
      %swap3A_41 = tpu.vector_load %arg8[%swap3A_39, %swap3A_40] {strides = array<i32>} : memref<384x128xf32, #tpu.memory_space<vmem>>, vector<1x16xf32>,
      %swap3A_42 = vector.shape_cast %swap3A_41 : vector<1x16xf32> to vector<16xf32>
      %swap3A_43 = vector.shape_cast %broadcast_in_dim3A_1 : vector<16xf32> to vector<1x16xf32>
      tpu.vector_store %arg8[%swap3A_39, %swap3A_40], %swap3A_43 {strides = array<i32>} : memref<384x128xf32, #tpu.memory_space<vmem>>, vector<1x16xf32>,
      %swap3A_44 = arith.index_cast %scan3A_34 : i32 to index
      %swap3A_45 = arith.constant 32 : index
      %swap3A_46 = tpu.vector_load %arg8[%swap3A_44, %swap3A_45] {strides = array<i32>} : memref<384x128xf32, #tpu.memory_space<vmem>>, vector<1x16xf32>,
      %swap3A_47 = vector.shape_cast %swap3A_46 : vector<1x16xf32> to vector<16xf32>
      %swap3A_48 = vector.shape_cast %broadcast_in_dim3A_1 : vector<16xf32> to vector<1x16xf32>
      tpu.vector_store %arg8[%swap3A_44, %swap3A_45], %swap3A_48 {strides = array<i32>} : memref<384x128xf32, #tpu.memory_space<vmem>>, vector<1x16xf32>,
      %swap3A_49 = arith.index_cast %scan3A_34 : i32 to index
      %swap3A_50 = arith.constant 48 : index
      %swap3A_51 = tpu.vector_load %arg8[%swap3A_49, %swap3A_50] {strides = array<i32>} : memref<384x128xf32, #tpu.memory_space<vmem>>, vector<1x16xf32>,
      %swap3A_52 = vector.shape_cast %swap3A_51 : vector<1x16xf32> to vector<16xf32>
      %swap3A_53 = vector.shape_cast %broadcast_in_dim3A_1 : vector<16xf32> to vector<1x16xf32>
      tpu.vector_store %arg8[%swap3A_49, %swap3A_50], %swap3A_53 {strides = array<i32>} : memref<384x128xf32, #tpu.memory_space<vmem>>, vector<1x16xf32>,
      %swap3A_54 = arith.index_cast %scan3A_34 : i32 to index
      %swap3A_55 = arith.constant 64 : index
      %swap3A_56 = tpu.vector_load %arg8[%swap3A_54, %swap3A_55] {strides = array<i32>} : memref<384x128xf32, #tpu.memory_space<vmem>>, vector<1x16xf32>,
      %swap3A_57 = vector.shape_cast %swap3A_56 : vector<1x16xf32> to vector<16xf32>
      %swap3A_58 = vector.shape_cast %broadcast_in_dim3A_1 : vector<16xf32> to vector<1x16xf32>
      tpu.vector_store %arg8[%swap3A_54, %swap3A_55], %swap3A_58 {strides = array<i32>} : memref<384x128xf32, #tpu.memory_space<vmem>>, vector<1x16xf32>,
      %swap3A_59 = arith.index_cast %scan3A_34 : i32 to index
      %swap3A_60 = arith.constant 80 : index
      %swap3A_61 = tpu.vector_load %arg8[%swap3A_59, %swap3A_60] {strides = array<i32>} : memref<384x128xf32, #tpu.memory_space<vmem>>, vector<1x16xf32>,
      %swap3A_62 = vector.shape_cast %swap3A_61 : vector<1x16xf32> to vector<16xf32>
      %swap3A_63 = vector.shape_cast %broadcast_in_dim3A_1 : vector<16xf32> to vector<1x16xf32>
      tpu.vector_store %arg8[%swap3A_59, %swap3A_60], %swap3A_63 {strides = array<i32>} : memref<384x128xf32, #tpu.memory_space<vmem>>, vector<1x16xf32>,
      %swap3A_64 = arith.index_cast %scan3A_34 : i32 to index
      %swap3A_65 = arith.constant 96 : index
      %swap3A_66 = tpu.vector_load %arg8[%swap3A_64, %swap3A_65] {strides = array<i32>} : memref<384x128xf32, #tpu.memory_space<vmem>>, vector<1x16xf32>,
      %swap3A_67 = vector.shape_cast %swap3A_66 : vector<1x16xf32> to vector<16xf32>
      %swap3A_68 = vector.shape_cast %broadcast_in_dim3A_1 : vector<16xf32> to vector<1x16xf32>
      tpu.vector_store %arg8[%swap3A_64, %swap3A_65], %swap3A_68 {strides = array<i32>} : memref<384x128xf32, #tpu.memory_space<vmem>>, vector<1x16xf32>,
      %swap3A_69 = arith.index_cast %scan3A_34 : i32 to index
      %swap3A_70 = arith.constant 112 : index
      %swap3A_71 = tpu.vector_load %arg8[%swap3A_69, %swap3A_70] {strides = array<i32>} : memref<384x128xf32, #tpu.memory_space<vmem>>, vector<1x16xf32>,
      %swap3A_72 = vector.shape_cast %swap3A_71 : vector<1x16xf32> to vector<16xf32>
      %swap3A_73 = vector.shape_cast %broadcast_in_dim3A_1 : vector<16xf32> to vector<1x16xf32>
      tpu.vector_store %arg8[%swap3A_69, %swap3A_70], %swap3A_73 {strides = array<i32>} : memref<384x128xf32, #tpu.memory_space<vmem>>, vector<1x16xf32>,
    }
    %scan3A_5 = arith.constant 128 : i32
    %mul3A_6 = arith.constant 448 : i32
    %mul3A_7 = arith.muli %arg1, %mul3A_6 : i32
    %add3A = arith.constant 0 : i32
    %add3A_8 = arith.addi %mul3A_7, %add3A : i32
    "tpu.region"() ({
      %run_scoped3A = tpu.sem_alloc : memref<!tpu.dma_semaphore, #tpu.memory_space<semaphore_mem>>
      %dma_start3A = arith.constant 0 : i32
      %dma_start3A_34 = arith.constant 0 : i32
      %dma_start3A_35 = tpu.memref_slice %arg8[%dma_start3A, %dma_start3A_34] : memref<384x128xf32, #tpu.memory_space<vmem>> -> memref<128x128xf32, #tpu.memory_space<vmem>>
      %dma_start3A_36 = arith.constant 0 : i32
      %dma_start3A_37 = tpu.memref_slice %arg9[%add3A_8, %dma_start3A_36] : memref<7168x128xf32, #tpu.memory_space<vmem_shared>> -> memref<128x128xf32, #tpu.memory_space<vmem_shared>>
      %dma_start3A_38 = arith.constant 0 : i32
      %dma_start3A_39 = tpu.memref_slice %arg9[%add3A_8, %dma_start3A_38] : memref<7168x128xf32, #tpu.memory_space<vmem_shared>> -> memref<128x128xf32, #tpu.memory_space<vmem_shared>>
      %dma_start3A_40 = arith.constant 0 : i32
      %dma_start3A_41 = arith.constant 0 : i32
      %dma_start3A_42 = tpu.memref_slice %arg8[%dma_start3A_40, %dma_start3A_41] : memref<384x128xf32, #tpu.memory_space<vmem>> -> memref<128x128xf32, #tpu.memory_space<vmem>>
      tpu.enqueue_dma source(%dma_start3A_42 : memref<128x128xf32, #tpu.memory_space<vmem>>) target(%dma_start3A_39 : memref<128x128xf32, #tpu.memory_space<vmem_shared>>) target_semaphore(%run_scoped3A : memref<!tpu.dma_semaphore, #tpu.memory_space<semaphore_mem>>)
      %dma_wait3A = arith.constant 0 : i32
      %dma_wait3A_43 = arith.constant 0 : i32
      %dma_wait3A_44 = tpu.memref_slice %arg8[%dma_wait3A, %dma_wait3A_43] : memref<384x128xf32, #tpu.memory_space<vmem>> -> memref<128x128xf32, #tpu.memory_space<vmem>>
      %dma_wait3A_45 = arith.constant 0 : i32
      %dma_wait3A_46 = tpu.memref_slice %arg9[%add3A_8, %dma_wait3A_45] : memref<7168x128xf32, #tpu.memory_space<vmem_shared>> -> memref<128x128xf32, #tpu.memory_space<vmem_shared>>
      %dma_wait3A_47 = arith.constant 0 : i32
      %dma_wait3A_48 = tpu.memref_slice %arg9[%add3A_8, %dma_wait3A_47] : memref<7168x128xf32, #tpu.memory_space<vmem_shared>> -> memref<128x128xf32, #tpu.memory_space<vmem_shared>>
      %dma_wait3A_49 = arith.constant 0 : i32
      %dma_wait3A_50 = arith.constant 0 : i32
      %dma_wait3A_51 = tpu.memref_slice %arg8[%dma_wait3A_49, %dma_wait3A_50] : memref<384x128xf32, #tpu.memory_space<vmem>> -> memref<128x128xf32, #tpu.memory_space<vmem>>
      tpu.wait_dma2 semaphore(%run_scoped3A : memref<!tpu.dma_semaphore, #tpu.memory_space<semaphore_mem>>) src(%dma_wait3A_51 : memref<128x128xf32, #tpu.memory_space<vmem>>) dst(%dma_wait3A_48 : memref<128x128xf32, #tpu.memory_space<vmem_shared>>)
      tpu.yield
    }) : () -> ()
    %mul3A_9 = arith.constant 448 : i32
    %mul3A_10 = arith.muli %arg1, %mul3A_9 : i32
    %add3A_11 = arith.constant 128 : i32
    %add3A_12 = arith.addi %mul3A_10, %add3A_11 : i32
    "tpu.region"() ({
      %run_scoped3A = tpu.sem_alloc : memref<!tpu.dma_semaphore, #tpu.memory_space<semaphore_mem>>
      %dma_start3A = arith.constant 0 : i32
      %dma_start3A_34 = arith.constant 0 : i32
      %dma_start3A_35 = tpu.memref_slice %arg8[%dma_start3A, %dma_start3A_34] : memref<384x128xf32, #tpu.memory_space<vmem>> -> memref<128x128xf32, #tpu.memory_space<vmem>>
      %dma_start3A_36 = arith.constant 0 : i32
      %dma_start3A_37 = tpu.memref_slice %arg9[%add3A_12, %dma_start3A_36] : memref<7168x128xf32, #tpu.memory_space<vmem_shared>> -> memref<128x128xf32, #tpu.memory_space<vmem_shared>>
      %dma_start3A_38 = arith.constant 0 : i32
      %dma_start3A_39 = tpu.memref_slice %arg9[%add3A_12, %dma_start3A_38] : memref<7168x128xf32, #tpu.memory_space<vmem_shared>> -> memref<128x128xf32, #tpu.memory_space<vmem_shared>>
      %dma_start3A_40 = arith.constant 0 : i32
      %dma_start3A_41 = arith.constant 0 : i32
      %dma_start3A_42 = tpu.memref_slice %arg8[%dma_start3A_40, %dma_start3A_41] : memref<384x128xf32, #tpu.memory_space<vmem>> -> memref<128x128xf32, #tpu.memory_space<vmem>>
      tpu.enqueue_dma source(%dma_start3A_42 : memref<128x128xf32, #tpu.memory_space<vmem>>) target(%dma_start3A_39 : memref<128x128xf32, #tpu.memory_space<vmem_shared>>) target_semaphore(%run_scoped3A : memref<!tpu.dma_semaphore, #tpu.memory_space<semaphore_mem>>)
      %dma_wait3A = arith.constant 0 : i32
      %dma_wait3A_43 = arith.constant 0 : i32
      %dma_wait3A_44 = tpu.memref_slice %arg8[%dma_wait3A, %dma_wait3A_43] : memref<384x128xf32, #tpu.memory_space<vmem>> -> memref<128x128xf32, #tpu.memory_space<vmem>>
      %dma_wait3A_45 = arith.constant 0 : i32
      %dma_wait3A_46 = tpu.memref_slice %arg9[%add3A_12, %dma_wait3A_45] : memref<7168x128xf32, #tpu.memory_space<vmem_shared>> -> memref<128x128xf32, #tpu.memory_space<vmem_shared>>
      %dma_wait3A_47 = arith.constant 0 : i32
      %dma_wait3A_48 = tpu.memref_slice %arg9[%add3A_12, %dma_wait3A_47] : memref<7168x128xf32, #tpu.memory_space<vmem_shared>> -> memref<128x128xf32, #tpu.memory_space<vmem_shared>>
      %dma_wait3A_49 = arith.constant 0 : i32
      %dma_wait3A_50 = arith.constant 0 : i32
      %dma_wait3A_51 = tpu.memref_slice %arg8[%dma_wait3A_49, %dma_wait3A_50] : memref<384x128xf32, #tpu.memory_space<vmem>> -> memref<128x128xf32, #tpu.memory_space<vmem>>
      tpu.wait_dma2 semaphore(%run_scoped3A : memref<!tpu.dma_semaphore, #tpu.memory_space<semaphore_mem>>) src(%dma_wait3A_51 : memref<128x128xf32, #tpu.memory_space<vmem>>) dst(%dma_wait3A_48 : memref<128x128xf32, #tpu.memory_space<vmem_shared>>)
      tpu.yield
    }) : () -> ()
    %mul3A_13 = arith.constant 448 : i32
    %mul3A_14 = arith.muli %arg1, %mul3A_13 : i32
    %add3A_15 = arith.constant 256 : i32
    %add3A_16 = arith.addi %mul3A_14, %add3A_15 : i32
    "tpu.region"() ({
      %run_scoped3A = tpu.sem_alloc : memref<!tpu.dma_semaphore, #tpu.memory_space<semaphore_mem>>
      %dma_start3A = arith.constant 0 : i32
      %dma_start3A_34 = arith.constant 0 : i32
      %dma_start3A_35 = tpu.memref_slice %arg8[%dma_start3A, %dma_start3A_34] : memref<384x128xf32, #tpu.memory_space<vmem>> -> memref<128x128xf32, #tpu.memory_space<vmem>>
      %dma_start3A_36 = arith.constant 0 : i32
      %dma_start3A_37 = tpu.memref_slice %arg9[%add3A_16, %dma_start3A_36] : memref<7168x128xf32, #tpu.memory_space<vmem_shared>> -> memref<128x128xf32, #tpu.memory_space<vmem_shared>>
      %dma_start3A_38 = arith.constant 0 : i32
      %dma_start3A_39 = tpu.memref_slice %arg9[%add3A_16, %dma_start3A_38] : memref<7168x128xf32, #tpu.memory_space<vmem_shared>> -> memref<128x128xf32, #tpu.memory_space<vmem_shared>>
      %dma_start3A_40 = arith.constant 0 : i32
      %dma_start3A_41 = arith.constant 0 : i32
      %dma_start3A_42 = tpu.memref_slice %arg8[%dma_start3A_40, %dma_start3A_41] : memref<384x128xf32, #tpu.memory_space<vmem>> -> memref<128x128xf32, #tpu.memory_space<vmem>>
      tpu.enqueue_dma source(%dma_start3A_42 : memref<128x128xf32, #tpu.memory_space<vmem>>) target(%dma_start3A_39 : memref<128x128xf32, #tpu.memory_space<vmem_shared>>) target_semaphore(%run_scoped3A : memref<!tpu.dma_semaphore, #tpu.memory_space<semaphore_mem>>)
      %dma_wait3A = arith.constant 0 : i32
      %dma_wait3A_43 = arith.constant 0 : i32
      %dma_wait3A_44 = tpu.memref_slice %arg8[%dma_wait3A, %dma_wait3A_43] : memref<384x128xf32, #tpu.memory_space<vmem>> -> memref<128x128xf32, #tpu.memory_space<vmem>>
      %dma_wait3A_45 = arith.constant 0 : i32
      %dma_wait3A_46 = tpu.memref_slice %arg9[%add3A_16, %dma_wait3A_45] : memref<7168x128xf32, #tpu.memory_space<vmem_shared>> -> memref<128x128xf32, #tpu.memory_space<vmem_shared>>
      %dma_wait3A_47 = arith.constant 0 : i32
      %dma_wait3A_48 = tpu.memref_slice %arg9[%add3A_16, %dma_wait3A_47] : memref<7168x128xf32, #tpu.memory_space<vmem_shared>> -> memref<128x128xf32, #tpu.memory_space<vmem_shared>>
      %dma_wait3A_49 = arith.constant 0 : i32
      %dma_wait3A_50 = arith.constant 0 : i32
      %dma_wait3A_51 = tpu.memref_slice %arg8[%dma_wait3A_49, %dma_wait3A_50] : memref<384x128xf32, #tpu.memory_space<vmem>> -> memref<128x128xf32, #tpu.memory_space<vmem>>
      tpu.wait_dma2 semaphore(%run_scoped3A : memref<!tpu.dma_semaphore, #tpu.memory_space<semaphore_mem>>) src(%dma_wait3A_51 : memref<128x128xf32, #tpu.memory_space<vmem>>) dst(%dma_wait3A_48 : memref<128x128xf32, #tpu.memory_space<vmem_shared>>)
      tpu.yield
    }) : () -> ()
    %mul3A_17 = arith.constant 448 : i32
    %mul3A_18 = arith.muli %arg1, %mul3A_17 : i32
    %add3A_19 = arith.constant 384 : i32
    %add3A_20 = arith.addi %mul3A_18, %add3A_19 : i32
    "tpu.region"() ({
      %run_scoped3A = tpu.sem_alloc : memref<!tpu.dma_semaphore, #tpu.memory_space<semaphore_mem>>
      %dma_start3A = arith.constant 0 : i32
      %dma_start3A_34 = arith.constant 0 : i32
      %dma_start3A_35 = tpu.memref_slice %arg8[%dma_start3A, %dma_start3A_34] : memref<384x128xf32, #tpu.memory_space<vmem>> -> memref<64x128xf32, #tpu.memory_space<vmem>>
      %dma_start3A_36 = arith.constant 0 : i32
      %dma_start3A_37 = tpu.memref_slice %arg9[%add3A_20, %dma_start3A_36] : memref<7168x128xf32, #tpu.memory_space<vmem_shared>> -> memref<64x128xf32, #tpu.memory_space<vmem_shared>>
      %dma_start3A_38 = arith.constant 0 : i32
      %dma_start3A_39 = tpu.memref_slice %arg9[%add3A_20, %dma_start3A_38] : memref<7168x128xf32, #tpu.memory_space<vmem_shared>> -> memref<64x128xf32, #tpu.memory_space<vmem_shared>>
      %dma_start3A_40 = arith.constant 0 : i32
      %dma_start3A_41 = arith.constant 0 : i32
      %dma_start3A_42 = tpu.memref_slice %arg8[%dma_start3A_40, %dma_start3A_41] : memref<384x128xf32, #tpu.memory_space<vmem>> -> memref<64x128xf32, #tpu.memory_space<vmem>>
      tpu.enqueue_dma source(%dma_start3A_42 : memref<64x128xf32, #tpu.memory_space<vmem>>) target(%dma_start3A_39 : memref<64x128xf32, #tpu.memory_space<vmem_shared>>) target_semaphore(%run_scoped3A : memref<!tpu.dma_semaphore, #tpu.memory_space<semaphore_mem>>)
      %dma_wait3A = arith.constant 0 : i32
      %dma_wait3A_43 = arith.constant 0 : i32
      %dma_wait3A_44 = tpu.memref_slice %arg8[%dma_wait3A, %dma_wait3A_43] : memref<384x128xf32, #tpu.memory_space<vmem>> -> memref<64x128xf32, #tpu.memory_space<vmem>>
      %dma_wait3A_45 = arith.constant 0 : i32
      %dma_wait3A_46 = tpu.memref_slice %arg9[%add3A_20, %dma_wait3A_45] : memref<7168x128xf32, #tpu.memory_space<vmem_shared>> -> memref<64x128xf32, #tpu.memory_space<vmem_shared>>
      %dma_wait3A_47 = arith.constant 0 : i32
      %dma_wait3A_48 = tpu.memref_slice %arg9[%add3A_20, %dma_wait3A_47] : memref<7168x128xf32, #tpu.memory_space<vmem_shared>> -> memref<64x128xf32, #tpu.memory_space<vmem_shared>>
      %dma_wait3A_49 = arith.constant 0 : i32
      %dma_wait3A_50 = arith.constant 0 : i32
      %dma_wait3A_51 = tpu.memref_slice %arg8[%dma_wait3A_49, %dma_wait3A_50] : memref<384x128xf32, #tpu.memory_space<vmem>> -> memref<64x128xf32, #tpu.memory_space<vmem>>
      tpu.wait_dma2 semaphore(%run_scoped3A : memref<!tpu.dma_semaphore, #tpu.memory_space<semaphore_mem>>) src(%dma_wait3A_51 : memref<64x128xf32, #tpu.memory_space<vmem>>) dst(%dma_wait3A_48 : memref<64x128xf32, #tpu.memory_space<vmem_shared>>)
      tpu.yield
    }) : () -> ()
    %barrier3A = arith.constant 0 : index
    tpu.barrier barrier_id(%barrier3A)
    %mul3A_21 = arith.constant 160 : i32
    %mul3A_22 = arith.muli %arg1, %mul3A_21 : i32
    "tpu.region"() ({
      %run_scoped3A = tpu.sem_alloc : memref<!tpu.dma_semaphore, #tpu.memory_space<semaphore_mem>>
      %dma_start3A = arith.constant 0 : i32
      %dma_start3A_34 = arith.constant 0 : i32
      %dma_start3A_35 = tpu.memref_slice %arg6[%dma_start3A, %dma_start3A_34] : memref<64x128xi32, #tpu.memory_space<vmem>> -> memref<32x128xi32, #tpu.memory_space<vmem>>
      %dma_start3A_36 = arith.constant 0 : i32
      %dma_start3A_37 = tpu.memref_slice %arg3[%mul3A_22, %dma_start3A_36] : memref<2560x128xi32, #tpu.memory_space<hbm>> -> memref<32x128xi32, #tpu.memory_space<hbm>>
      %dma_start3A_38 = arith.constant 0 : i32
      %dma_start3A_39 = arith.constant 0 : i32
      %dma_start3A_40 = tpu.memref_slice %arg6[%dma_start3A_38, %dma_start3A_39] : memref<64x128xi32, #tpu.memory_space<vmem>> -> memref<32x128xi32, #tpu.memory_space<vmem>>
      %dma_start3A_41 = arith.constant 0 : i32
      %dma_start3A_42 = tpu.memref_slice %arg3[%mul3A_22, %dma_start3A_41] : memref<2560x128xi32, #tpu.memory_space<hbm>> -> memref<32x128xi32, #tpu.memory_space<hbm>>
      tpu.enqueue_dma source(%dma_start3A_42 : memref<32x128xi32, #tpu.memory_space<hbm>>) target(%dma_start3A_40 : memref<32x128xi32, #tpu.memory_space<vmem>>) target_semaphore(%run_scoped3A : memref<!tpu.dma_semaphore, #tpu.memory_space<semaphore_mem>>)
      %dma_wait3A = arith.constant 0 : i32
      %dma_wait3A_43 = arith.constant 0 : i32
      %dma_wait3A_44 = tpu.memref_slice %arg6[%dma_wait3A, %dma_wait3A_43] : memref<64x128xi32, #tpu.memory_space<vmem>> -> memref<32x128xi32, #tpu.memory_space<vmem>>
      %dma_wait3A_45 = arith.constant 0 : i32
      %dma_wait3A_46 = tpu.memref_slice %arg3[%mul3A_22, %dma_wait3A_45] : memref<2560x128xi32, #tpu.memory_space<hbm>> -> memref<32x128xi32, #tpu.memory_space<hbm>>
      %dma_wait3A_47 = arith.constant 0 : i32
      %dma_wait3A_48 = arith.constant 0 : i32
      %dma_wait3A_49 = tpu.memref_slice %arg6[%dma_wait3A_47, %dma_wait3A_48] : memref<64x128xi32, #tpu.memory_space<vmem>> -> memref<32x128xi32, #tpu.memory_space<vmem>>
      %dma_wait3A_50 = arith.constant 0 : i32
      %dma_wait3A_51 = tpu.memref_slice %arg3[%mul3A_22, %dma_wait3A_50] : memref<2560x128xi32, #tpu.memory_space<hbm>> -> memref<32x128xi32, #tpu.memory_space<hbm>>
      tpu.wait_dma2 semaphore(%run_scoped3A : memref<!tpu.dma_semaphore, #tpu.memory_space<semaphore_mem>>) src(%dma_wait3A_51 : memref<32x128xi32, #tpu.memory_space<hbm>>) dst(%dma_wait3A_49 : memref<32x128xi32, #tpu.memory_space<vmem>>)
      tpu.yield
    }) : () -> ()
    "tpu.region"() ({
      %run_scoped3A = tpu.sem_alloc : memref<!tpu.dma_semaphore, #tpu.memory_space<semaphore_mem>>
      %dma_start3A = arith.constant 0 : i32
      %dma_start3A_34 = arith.constant 0 : i32
      %dma_start3A_35 = tpu.memref_slice %arg7[%dma_start3A, %dma_start3A_34] : memref<64x128xi32, #tpu.memory_space<vmem>> -> memref<32x128xi32, #tpu.memory_space<vmem>>
      %dma_start3A_36 = arith.constant 0 : i32
      %dma_start3A_37 = tpu.memref_slice %arg4[%mul3A_22, %dma_start3A_36] : memref<2560x128xi32, #tpu.memory_space<hbm>> -> memref<32x128xi32, #tpu.memory_space<hbm>>
      %dma_start3A_38 = arith.constant 0 : i32
      %dma_start3A_39 = arith.constant 0 : i32
      %dma_start3A_40 = tpu.memref_slice %arg7[%dma_start3A_38, %dma_start3A_39] : memref<64x128xi32, #tpu.memory_space<vmem>> -> memref<32x128xi32, #tpu.memory_space<vmem>>
      %dma_start3A_41 = arith.constant 0 : i32
      %dma_start3A_42 = tpu.memref_slice %arg4[%mul3A_22, %dma_start3A_41] : memref<2560x128xi32, #tpu.memory_space<hbm>> -> memref<32x128xi32, #tpu.memory_space<hbm>>
      tpu.enqueue_dma source(%dma_start3A_42 : memref<32x128xi32, #tpu.memory_space<hbm>>) target(%dma_start3A_40 : memref<32x128xi32, #tpu.memory_space<vmem>>) target_semaphore(%run_scoped3A : memref<!tpu.dma_semaphore, #tpu.memory_space<semaphore_mem>>)
      %dma_wait3A = arith.constant 0 : i32
      %dma_wait3A_43 = arith.constant 0 : i32
      %dma_wait3A_44 = tpu.memref_slice %arg7[%dma_wait3A, %dma_wait3A_43] : memref<64x128xi32, #tpu.memory_space<vmem>> -> memref<32x128xi32, #tpu.memory_space<vmem>>
      %dma_wait3A_45 = arith.constant 0 : i32
      %dma_wait3A_46 = tpu.memref_slice %arg4[%mul3A_22, %dma_wait3A_45] : memref<2560x128xi32, #tpu.memory_space<hbm>> -> memref<32x128xi32, #tpu.memory_space<hbm>>
      %dma_wait3A_47 = arith.constant 0 : i32
      %dma_wait3A_48 = arith.constant 0 : i32
      %dma_wait3A_49 = tpu.memref_slice %arg7[%dma_wait3A_47, %dma_wait3A_48] : memref<64x128xi32, #tpu.memory_space<vmem>> -> memref<32x128xi32, #tpu.memory_space<vmem>>
      %dma_wait3A_50 = arith.constant 0 : i32
      %dma_wait3A_51 = tpu.memref_slice %arg4[%mul3A_22, %dma_wait3A_50] : memref<2560x128xi32, #tpu.memory_space<hbm>> -> memref<32x128xi32, #tpu.memory_space<hbm>>
      tpu.wait_dma2 semaphore(%run_scoped3A : memref<!tpu.dma_semaphore, #tpu.memory_space<semaphore_mem>>) src(%dma_wait3A_51 : memref<32x128xi32, #tpu.memory_space<hbm>>) dst(%dma_wait3A_49 : memref<32x128xi32, #tpu.memory_space<vmem>>)
      tpu.yield
    }) : () -> ()
    %scan3A_23 = arith.constant 0 : i32
    %scan3A_24 = arith.constant 5 : i32
    %scan3A_25 = arith.addi %scan3A_23, %scan3A_24 : i32
    %scan3A_26 = arith.constant 1 : i32
    scf.for %scan3A_34 = %scan3A_23 to %scan3A_25 step %scan3A_26  : i32 {
      %rem3A = arith.constant 2 : i32
      %rem3A_35 = arith.remsi %scan3A_34, %rem3A : i32
      %mul3A_36 = arith.constant 32 : i32
      %mul3A_37 = arith.muli %rem3A_35, %mul3A_36 : i32
      %add3A_38 = arith.constant 1 : i32
      %add3A_39 = arith.addi %scan3A_34, %add3A_38 : i32
      %rem3A_40 = arith.constant 2 : i32
      %rem3A_41 = arith.remsi %add3A_39, %rem3A_40 : i32
      %mul3A_42 = arith.constant 32 : i32
      %mul3A_43 = arith.muli %rem3A_41, %mul3A_42 : i32
      %add3A_44 = arith.constant 1 : i32
      %add3A_45 = arith.addi %scan3A_34, %add3A_44 : i32
      %lt3A = arith.constant 5 : i32
      %lt3A_46 = arith.cmpi slt, %add3A_45, %lt3A : i32
      %convert_element_type3A = arith.extui %lt3A_46 : i1 to i32
      %cond3A = arith.constant 0 : i32
      %cond3A_47 = arith.cmpi ne, %convert_element_type3A, %cond3A : i32
      scf.if %cond3A_47 {
        %add3A_127 = arith.constant 1 : i32
        %add3A_128 = arith.addi %scan3A_34, %add3A_127 : i32
        %mul3A_129 = arith.constant 32 : i32
        %mul3A_130 = arith.muli %add3A_128, %mul3A_129 : i32
        %add3A_131 = arith.addi %mul3A_22, %mul3A_130 : i32
        %dma_start3A_132 = arith.constant 0 : i32
        %dma_start3A_133 = tpu.memref_slice %arg6[%mul3A_43, %dma_start3A_132] : memref<64x128xi32, #tpu.memory_space<vmem>> -> memref<32x128xi32, #tpu.memory_space<vmem>>
        %dma_start3A_134 = arith.constant 0 : i32
        %dma_start3A_135 = tpu.memref_slice %arg3[%add3A_131, %dma_start3A_134] : memref<2560x128xi32, #tpu.memory_space<hbm>> -> memref<32x128xi32, #tpu.memory_space<hbm>>
        %dma_start3A_136 = arith.constant 0 : i32
        %dma_start3A_137 = tpu.memref_slice %arg6[%mul3A_43, %dma_start3A_136] : memref<64x128xi32, #tpu.memory_space<vmem>> -> memref<32x128xi32, #tpu.memory_space<vmem>>
        %dma_start3A_138 = arith.constant 0 : i32
        %dma_start3A_139 = tpu.memref_slice %arg3[%add3A_131, %dma_start3A_138] : memref<2560x128xi32, #tpu.memory_space<hbm>> -> memref<32x128xi32, #tpu.memory_space<hbm>>
        tpu.enqueue_dma source(%dma_start3A_139 : memref<32x128xi32, #tpu.memory_space<hbm>>) target(%dma_start3A_137 : memref<32x128xi32, #tpu.memory_space<vmem>>) target_semaphore(%arg12 : memref<!tpu.dma_semaphore, #tpu.memory_space<semaphore_mem>>)
        %add3A_140 = arith.constant 1 : i32
        %add3A_141 = arith.addi %scan3A_34, %add3A_140 : i32
        %mul3A_142 = arith.constant 32 : i32
        %mul3A_143 = arith.muli %add3A_141, %mul3A_142 : i32
        %add3A_144 = arith.addi %mul3A_22, %mul3A_143 : i32
        %dma_start3A_145 = arith.constant 0 : i32
        %dma_start3A_146 = tpu.memref_slice %arg7[%mul3A_43, %dma_start3A_145] : memref<64x128xi32, #tpu.memory_space<vmem>> -> memref<32x128xi32, #tpu.memory_space<vmem>>
        %dma_start3A_147 = arith.constant 0 : i32
        %dma_start3A_148 = tpu.memref_slice %arg4[%add3A_144, %dma_start3A_147] : memref<2560x128xi32, #tpu.memory_space<hbm>> -> memref<32x128xi32, #tpu.memory_space<hbm>>
        %dma_start3A_149 = arith.constant 0 : i32
        %dma_start3A_150 = tpu.memref_slice %arg7[%mul3A_43, %dma_start3A_149] : memref<64x128xi32, #tpu.memory_space<vmem>> -> memref<32x128xi32, #tpu.memory_space<vmem>>
        %dma_start3A_151 = arith.constant 0 : i32
        %dma_start3A_152 = tpu.memref_slice %arg4[%add3A_144, %dma_start3A_151] : memref<2560x128xi32, #tpu.memory_space<hbm>> -> memref<32x128xi32, #tpu.memory_space<hbm>>
        tpu.enqueue_dma source(%dma_start3A_152 : memref<32x128xi32, #tpu.memory_space<hbm>>) target(%dma_start3A_150 : memref<32x128xi32, #tpu.memory_space<vmem>>) target_semaphore(%arg12 : memref<!tpu.dma_semaphore, #tpu.memory_space<semaphore_mem>>)
      } else {
      }
      %add3A_48 = arith.constant 0 : i32
      %add3A_49 = arith.addi %mul3A_37, %add3A_48 : i32
      %dma_start3A = arith.constant 0 : i32
      %dma_start3A_50 = arith.constant 0 : i32
      %dma_start3A_51 = tpu.memref_slice %arg8[%dma_start3A, %dma_start3A_50] : memref<384x128xf32, #tpu.memory_space<vmem>> -> memref<128x128xf32, #tpu.memory_space<vmem>>
      %dma_start3A_52 = arith.constant 0 : i32
      %dma_start3A_53 = tpu.memref_slice %arg6[%add3A_49, %dma_start3A_52] : memref<64x128xi32, #tpu.memory_space<vmem>> -> memref<1x128xi32, #tpu.memory_space<vmem>>
      %dma_start3A_54 = tpu.memref_squeeze %dma_start3A_53 : memref<1x128xi32, #tpu.memory_space<vmem>> -> memref<128xi32, #tpu.memory_space<vmem>>
      %dma_start3A_55 = arith.constant 0 : i32
      %dma_start3A_56 = arith.constant 0 : i32
      %dma_start3A_57 = tpu.memref_slice %arg2[%dma_start3A_55, %dma_start3A_56] : memref<12288x128xf32, #tpu.memory_space<hbm>> -> memref<12288x128xf32, #tpu.memory_space<hbm>>
      tpu.enqueue_indirect_dma source(%dma_start3A_57 : memref<12288x128xf32, #tpu.memory_space<hbm>>) target(%dma_start3A_51 : memref<128x128xf32, #tpu.memory_space<vmem>>) offsets(%dma_start3A_54 : memref<128xi32, #tpu.memory_space<vmem>>) semaphore(%arg10 : memref<!tpu.dma_semaphore, #tpu.memory_space<semaphore_mem>>)
      %add3A_58 = arith.constant 1 : i32
      %add3A_59 = arith.addi %mul3A_37, %add3A_58 : i32
      %dma_start3A_60 = arith.constant 128 : i32
      %dma_start3A_61 = arith.constant 0 : i32
      %dma_start3A_62 = tpu.memref_slice %arg8[%dma_start3A_60, %dma_start3A_61] : memref<384x128xf32, #tpu.memory_space<vmem>> -> memref<128x128xf32, #tpu.memory_space<vmem>>
      %dma_start3A_63 = arith.constant 0 : i32
      %dma_start3A_64 = tpu.memref_slice %arg6[%add3A_59, %dma_start3A_63] : memref<64x128xi32, #tpu.memory_space<vmem>> -> memref<1x128xi32, #tpu.memory_space<vmem>>
      %dma_start3A_65 = tpu.memref_squeeze %dma_start3A_64 : memref<1x128xi32, #tpu.memory_space<vmem>> -> memref<128xi32, #tpu.memory_space<vmem>>
      %dma_start3A_66 = arith.constant 0 : i32
      %dma_start3A_67 = arith.constant 0 : i32
      %dma_start3A_68 = tpu.memref_slice %arg2[%dma_start3A_66, %dma_start3A_67] : memref<12288x128xf32, #tpu.memory_space<hbm>> -> memref<12288x128xf32, #tpu.memory_space<hbm>>
      tpu.enqueue_indirect_dma source(%dma_start3A_68 : memref<12288x128xf32, #tpu.memory_space<hbm>>) target(%dma_start3A_62 : memref<128x128xf32, #tpu.memory_space<vmem>>) offsets(%dma_start3A_65 : memref<128xi32, #tpu.memory_space<vmem>>) semaphore(%arg10 : memref<!tpu.dma_semaphore, #tpu.memory_space<semaphore_mem>>)
      %add3A_69 = arith.constant 2 : i32
      %add3A_70 = arith.addi %mul3A_37, %add3A_69 : i32
      %dma_start3A_71 = arith.constant 256 : i32
      %dma_start3A_72 = arith.constant 0 : i32
      %dma_start3A_73 = tpu.memref_slice %arg8[%dma_start3A_71, %dma_start3A_72] : memref<384x128xf32, #tpu.memory_space<vmem>> -> memref<128x128xf32, #tpu.memory_space<vmem>>
      %dma_start3A_74 = arith.constant 0 : i32
      %dma_start3A_75 = tpu.memref_slice %arg6[%add3A_70, %dma_start3A_74] : memref<64x128xi32, #tpu.memory_space<vmem>> -> memref<1x128xi32, #tpu.memory_space<vmem>>
      %dma_start3A_76 = tpu.memref_squeeze %dma_start3A_75 : memref<1x128xi32, #tpu.memory_space<vmem>> -> memref<128xi32, #tpu.memory_space<vmem>>
      %dma_start3A_77 = arith.constant 0 : i32
      %dma_start3A_78 = arith.constant 0 : i32
      %dma_start3A_79 = tpu.memref_slice %arg2[%dma_start3A_77, %dma_start3A_78] : memref<12288x128xf32, #tpu.memory_space<hbm>> -> memref<12288x128xf32, #tpu.memory_space<hbm>>
      tpu.enqueue_indirect_dma source(%dma_start3A_79 : memref<12288x128xf32, #tpu.memory_space<hbm>>) target(%dma_start3A_73 : memref<128x128xf32, #tpu.memory_space<vmem>>) offsets(%dma_start3A_76 : memref<128xi32, #tpu.memory_space<vmem>>) semaphore(%arg10 : memref<!tpu.dma_semaphore, #tpu.memory_space<semaphore_mem>>)
      %scan3A_80 = arith.constant 0 : i32
      %scan3A_81 = arith.constant 32 : i32
      %scan3A_82 = arith.addi %scan3A_80, %scan3A_81 : i32
      %scan3A_83 = arith.constant 1 : i32
      scf.for %scan3A_127 = %scan3A_80 to %scan3A_82 step %scan3A_83  : i32 {
        %rem3A_128 = arith.constant 3 : i32
        %rem3A_129 = arith.remsi %scan3A_127, %rem3A_128 : i32
        %add3A_130 = arith.addi %mul3A_37, %scan3A_127 : i32
        %mul3A_131 = arith.constant 128 : i32
        %mul3A_132 = arith.muli %rem3A_129, %mul3A_131 : i32
        %dma_wait3A_133 = arith.constant 0 : i32
        %dma_wait3A_134 = tpu.memref_slice %arg8[%mul3A_132, %dma_wait3A_133] : memref<384x128xf32, #tpu.memory_space<vmem>> -> memref<128x128xf32, #tpu.memory_space<vmem>>
        %dma_wait3A_135 = arith.constant 0 : i32
        %dma_wait3A_136 = arith.constant 0 : i32
        %dma_wait3A_137 = tpu.memref_slice %arg2[%dma_wait3A_135, %dma_wait3A_136] : memref<12288x128xf32, #tpu.memory_space<hbm>> -> memref<128x128xf32, #tpu.memory_space<hbm>>
        %dma_wait3A_138 = arith.constant 0 : i32
        %dma_wait3A_139 = tpu.memref_slice %arg8[%mul3A_132, %dma_wait3A_138] : memref<384x128xf32, #tpu.memory_space<vmem>> -> memref<128x128xf32, #tpu.memory_space<vmem>>
        %dma_wait3A_140 = arith.constant 0 : i32
        %dma_wait3A_141 = arith.constant 0 : i32
        %dma_wait3A_142 = tpu.memref_slice %arg2[%dma_wait3A_140, %dma_wait3A_141] : memref<12288x128xf32, #tpu.memory_space<hbm>> -> memref<128x128xf32, #tpu.memory_space<hbm>>
        tpu.wait_dma2 semaphore(%arg10 : memref<!tpu.dma_semaphore, #tpu.memory_space<semaphore_mem>>) src(%dma_wait3A_142 : memref<128x128xf32, #tpu.memory_space<hbm>>) dst(%dma_wait3A_139 : memref<128x128xf32, #tpu.memory_space<vmem>>)
        %get3A = arith.index_cast %add3A_130 : i32 to index
        %get3A_143 = arith.constant 0 : index
        %get3A_144 = tpu.vector_load %arg7[%get3A, %get3A_143] {strides = array<i32>} : memref<64x128xi32, #tpu.memory_space<vmem>>, vector<1x16xi32>,
        %get3A_145 = vector.shape_cast %get3A_144 : vector<1x16xi32> to vector<16xi32>
        %ge3A = vector.broadcast %mul3A_0 : i32 to vector<16xi32>
        %ge3A_146 = arith.cmpi sge, %get3A_145, %ge3A : vector<16xi32>
        %add3A_147 = arith.constant 5120 : i32
        %add3A_148 = arith.addi %mul3A_0, %add3A_147 : i32
        %lt3A_149 = vector.broadcast %add3A_148 : i32 to vector<16xi32>
        %lt3A_150 = arith.cmpi slt, %get3A_145, %lt3A_149 : vector<16xi32>
        %and3A = arith.andi %ge3A_146, %lt3A_150 : vector<16xi1>
        %sub3A = vector.broadcast %mul3A_0 : i32 to vector<16xi32>
        %sub3A_151 = arith.subi %get3A_145, %sub3A : vector<16xi32>
        %and3A_152 = arith.constant 2047 : i32
        %and3A_153 = vector.broadcast %and3A_152 : i32 to vector<16xi32>
        %and3A_154 = arith.andi %get3A_145, %and3A_153 : vector<16xi32>
        %add3A_155 = arith.constant 5120 : i32
        %add3A_156 = vector.broadcast %add3A_155 : i32 to vector<16xi32>
        %add3A_157 = arith.addi %add3A_156, %and3A_154 : vector<16xi32>
        %select_n3A = arith.select %and3A, %sub3A_151, %add3A_157 : vector<16xi1>, vector<16xi32>
        %swap3A = arith.index_cast %add3A_130 : i32 to index
        %swap3A_158 = arith.constant 0 : index
        %swap3A_159 = tpu.vector_load %arg7[%swap3A, %swap3A_158] {strides = array<i32>} : memref<64x128xi32, #tpu.memory_space<vmem>>, vector<1x16xi32>,
        %swap3A_160 = vector.shape_cast %swap3A_159 : vector<1x16xi32> to vector<16xi32>
        %swap3A_161 = vector.shape_cast %select_n3A : vector<16xi32> to vector<1x16xi32>
        tpu.vector_store %arg7[%swap3A, %swap3A_158], %swap3A_161 {strides = array<i32>} : memref<64x128xi32, #tpu.memory_space<vmem>>, vector<1x16xi32>,
        %get3A_162 = arith.index_cast %add3A_130 : i32 to index
        %get3A_163 = arith.constant 16 : index
        %get3A_164 = tpu.vector_load %arg7[%get3A_162, %get3A_163] {strides = array<i32>} : memref<64x128xi32, #tpu.memory_space<vmem>>, vector<1x16xi32>,
        %get3A_165 = vector.shape_cast %get3A_164 : vector<1x16xi32> to vector<16xi32>
        %ge3A_166 = vector.broadcast %mul3A_0 : i32 to vector<16xi32>
        %ge3A_167 = arith.cmpi sge, %get3A_165, %ge3A_166 : vector<16xi32>
        %add3A_168 = arith.constant 5120 : i32
        %add3A_169 = arith.addi %mul3A_0, %add3A_168 : i32
        %lt3A_170 = vector.broadcast %add3A_169 : i32 to vector<16xi32>
        %lt3A_171 = arith.cmpi slt, %get3A_165, %lt3A_170 : vector<16xi32>
        %and3A_172 = arith.andi %ge3A_167, %lt3A_171 : vector<16xi1>
        %sub3A_173 = vector.broadcast %mul3A_0 : i32 to vector<16xi32>
        %sub3A_174 = arith.subi %get3A_165, %sub3A_173 : vector<16xi32>
        %and3A_175 = arith.constant 2047 : i32
        %and3A_176 = vector.broadcast %and3A_175 : i32 to vector<16xi32>
        %and3A_177 = arith.andi %get3A_165, %and3A_176 : vector<16xi32>
        %add3A_178 = arith.constant 5120 : i32
        %add3A_179 = vector.broadcast %add3A_178 : i32 to vector<16xi32>
        %add3A_180 = arith.addi %add3A_179, %and3A_177 : vector<16xi32>
        %select_n3A_181 = arith.select %and3A_172, %sub3A_174, %add3A_180 : vector<16xi1>, vector<16xi32>
        %swap3A_182 = arith.index_cast %add3A_130 : i32 to index
        %swap3A_183 = arith.constant 16 : index
        %swap3A_184 = tpu.vector_load %arg7[%swap3A_182, %swap3A_183] {strides = array<i32>} : memref<64x128xi32, #tpu.memory_space<vmem>>, vector<1x16xi32>,
        %swap3A_185 = vector.shape_cast %swap3A_184 : vector<1x16xi32> to vector<16xi32>
        %swap3A_186 = vector.shape_cast %select_n3A_181 : vector<16xi32> to vector<1x16xi32>
        tpu.vector_store %arg7[%swap3A_182, %swap3A_183], %swap3A_186 {strides = array<i32>} : memref<64x128xi32, #tpu.memory_space<vmem>>, vector<1x16xi32>,
        %get3A_187 = arith.index_cast %add3A_130 : i32 to index
        %get3A_188 = arith.constant 32 : index
        %get3A_189 = tpu.vector_load %arg7[%get3A_187, %get3A_188] {strides = array<i32>} : memref<64x128xi32, #tpu.memory_space<vmem>>, vector<1x16xi32>,
        %get3A_190 = vector.shape_cast %get3A_189 : vector<1x16xi32> to vector<16xi32>
        %ge3A_191 = vector.broadcast %mul3A_0 : i32 to vector<16xi32>
        %ge3A_192 = arith.cmpi sge, %get3A_190, %ge3A_191 : vector<16xi32>
        %add3A_193 = arith.constant 5120 : i32
        %add3A_194 = arith.addi %mul3A_0, %add3A_193 : i32
        %lt3A_195 = vector.broadcast %add3A_194 : i32 to vector<16xi32>
        %lt3A_196 = arith.cmpi slt, %get3A_190, %lt3A_195 : vector<16xi32>
        %and3A_197 = arith.andi %ge3A_192, %lt3A_196 : vector<16xi1>
        %sub3A_198 = vector.broadcast %mul3A_0 : i32 to vector<16xi32>
        %sub3A_199 = arith.subi %get3A_190, %sub3A_198 : vector<16xi32>
        %and3A_200 = arith.constant 2047 : i32
        %and3A_201 = vector.broadcast %and3A_200 : i32 to vector<16xi32>
        %and3A_202 = arith.andi %get3A_190, %and3A_201 : vector<16xi32>
        %add3A_203 = arith.constant 5120 : i32
        %add3A_204 = vector.broadcast %add3A_203 : i32 to vector<16xi32>
        %add3A_205 = arith.addi %add3A_204, %and3A_202 : vector<16xi32>
        %select_n3A_206 = arith.select %and3A_197, %sub3A_199, %add3A_205 : vector<16xi1>, vector<16xi32>
        %swap3A_207 = arith.index_cast %add3A_130 : i32 to index
        %swap3A_208 = arith.constant 32 : index
        %swap3A_209 = tpu.vector_load %arg7[%swap3A_207, %swap3A_208] {strides = array<i32>} : memref<64x128xi32, #tpu.memory_space<vmem>>, vector<1x16xi32>,
        %swap3A_210 = vector.shape_cast %swap3A_209 : vector<1x16xi32> to vector<16xi32>
        %swap3A_211 = vector.shape_cast %select_n3A_206 : vector<16xi32> to vector<1x16xi32>
        tpu.vector_store %arg7[%swap3A_207, %swap3A_208], %swap3A_211 {strides = array<i32>} : memref<64x128xi32, #tpu.memory_space<vmem>>, vector<1x16xi32>,
        %get3A_212 = arith.index_cast %add3A_130 : i32 to index
        %get3A_213 = arith.constant 48 : index
        %get3A_214 = tpu.vector_load %arg7[%get3A_212, %get3A_213] {strides = array<i32>} : memref<64x128xi32, #tpu.memory_space<vmem>>, vector<1x16xi32>,
        %get3A_215 = vector.shape_cast %get3A_214 : vector<1x16xi32> to vector<16xi32>
        %ge3A_216 = vector.broadcast %mul3A_0 : i32 to vector<16xi32>
        %ge3A_217 = arith.cmpi sge, %get3A_215, %ge3A_216 : vector<16xi32>
        %add3A_218 = arith.constant 5120 : i32
        %add3A_219 = arith.addi %mul3A_0, %add3A_218 : i32
        %lt3A_220 = vector.broadcast %add3A_219 : i32 to vector<16xi32>
        %lt3A_221 = arith.cmpi slt, %get3A_215, %lt3A_220 : vector<16xi32>
        %and3A_222 = arith.andi %ge3A_217, %lt3A_221 : vector<16xi1>
        %sub3A_223 = vector.broadcast %mul3A_0 : i32 to vector<16xi32>
        %sub3A_224 = arith.subi %get3A_215, %sub3A_223 : vector<16xi32>
        %and3A_225 = arith.constant 2047 : i32
        %and3A_226 = vector.broadcast %and3A_225 : i32 to vector<16xi32>
        %and3A_227 = arith.andi %get3A_215, %and3A_226 : vector<16xi32>
        %add3A_228 = arith.constant 5120 : i32
        %add3A_229 = vector.broadcast %add3A_228 : i32 to vector<16xi32>
        %add3A_230 = arith.addi %add3A_229, %and3A_227 : vector<16xi32>
        %select_n3A_231 = arith.select %and3A_222, %sub3A_224, %add3A_230 : vector<16xi1>, vector<16xi32>
        %swap3A_232 = arith.index_cast %add3A_130 : i32 to index
        %swap3A_233 = arith.constant 48 : index
        %swap3A_234 = tpu.vector_load %arg7[%swap3A_232, %swap3A_233] {strides = array<i32>} : memref<64x128xi32, #tpu.memory_space<vmem>>, vector<1x16xi32>,
        %swap3A_235 = vector.shape_cast %swap3A_234 : vector<1x16xi32> to vector<16xi32>
        %swap3A_236 = vector.shape_cast %select_n3A_231 : vector<16xi32> to vector<1x16xi32>
        tpu.vector_store %arg7[%swap3A_232, %swap3A_233], %swap3A_236 {strides = array<i32>} : memref<64x128xi32, #tpu.memory_space<vmem>>, vector<1x16xi32>,
        %get3A_237 = arith.index_cast %add3A_130 : i32 to index
        %get3A_238 = arith.constant 64 : index
        %get3A_239 = tpu.vector_load %arg7[%get3A_237, %get3A_238] {strides = array<i32>} : memref<64x128xi32, #tpu.memory_space<vmem>>, vector<1x16xi32>,
        %get3A_240 = vector.shape_cast %get3A_239 : vector<1x16xi32> to vector<16xi32>
        %ge3A_241 = vector.broadcast %mul3A_0 : i32 to vector<16xi32>
        %ge3A_242 = arith.cmpi sge, %get3A_240, %ge3A_241 : vector<16xi32>
        %add3A_243 = arith.constant 5120 : i32
        %add3A_244 = arith.addi %mul3A_0, %add3A_243 : i32
        %lt3A_245 = vector.broadcast %add3A_244 : i32 to vector<16xi32>
        %lt3A_246 = arith.cmpi slt, %get3A_240, %lt3A_245 : vector<16xi32>
        %and3A_247 = arith.andi %ge3A_242, %lt3A_246 : vector<16xi1>
        %sub3A_248 = vector.broadcast %mul3A_0 : i32 to vector<16xi32>
        %sub3A_249 = arith.subi %get3A_240, %sub3A_248 : vector<16xi32>
        %and3A_250 = arith.constant 2047 : i32
        %and3A_251 = vector.broadcast %and3A_250 : i32 to vector<16xi32>
        %and3A_252 = arith.andi %get3A_240, %and3A_251 : vector<16xi32>
        %add3A_253 = arith.constant 5120 : i32
        %add3A_254 = vector.broadcast %add3A_253 : i32 to vector<16xi32>
        %add3A_255 = arith.addi %add3A_254, %and3A_252 : vector<16xi32>
        %select_n3A_256 = arith.select %and3A_247, %sub3A_249, %add3A_255 : vector<16xi1>, vector<16xi32>
        %swap3A_257 = arith.index_cast %add3A_130 : i32 to index
        %swap3A_258 = arith.constant 64 : index
        %swap3A_259 = tpu.vector_load %arg7[%swap3A_257, %swap3A_258] {strides = array<i32>} : memref<64x128xi32, #tpu.memory_space<vmem>>, vector<1x16xi32>,
        %swap3A_260 = vector.shape_cast %swap3A_259 : vector<1x16xi32> to vector<16xi32>
        %swap3A_261 = vector.shape_cast %select_n3A_256 : vector<16xi32> to vector<1x16xi32>
        tpu.vector_store %arg7[%swap3A_257, %swap3A_258], %swap3A_261 {strides = array<i32>} : memref<64x128xi32, #tpu.memory_space<vmem>>, vector<1x16xi32>,
        %get3A_262 = arith.index_cast %add3A_130 : i32 to index
        %get3A_263 = arith.constant 80 : index
        %get3A_264 = tpu.vector_load %arg7[%get3A_262, %get3A_263] {strides = array<i32>} : memref<64x128xi32, #tpu.memory_space<vmem>>, vector<1x16xi32>,
        %get3A_265 = vector.shape_cast %get3A_264 : vector<1x16xi32> to vector<16xi32>
        %ge3A_266 = vector.broadcast %mul3A_0 : i32 to vector<16xi32>
        %ge3A_267 = arith.cmpi sge, %get3A_265, %ge3A_266 : vector<16xi32>
        %add3A_268 = arith.constant 5120 : i32
        %add3A_269 = arith.addi %mul3A_0, %add3A_268 : i32
        %lt3A_270 = vector.broadcast %add3A_269 : i32 to vector<16xi32>
        %lt3A_271 = arith.cmpi slt, %get3A_265, %lt3A_270 : vector<16xi32>
        %and3A_272 = arith.andi %ge3A_267, %lt3A_271 : vector<16xi1>
        %sub3A_273 = vector.broadcast %mul3A_0 : i32 to vector<16xi32>
        %sub3A_274 = arith.subi %get3A_265, %sub3A_273 : vector<16xi32>
        %and3A_275 = arith.constant 2047 : i32
        %and3A_276 = vector.broadcast %and3A_275 : i32 to vector<16xi32>
        %and3A_277 = arith.andi %get3A_265, %and3A_276 : vector<16xi32>
        %add3A_278 = arith.constant 5120 : i32
        %add3A_279 = vector.broadcast %add3A_278 : i32 to vector<16xi32>
        %add3A_280 = arith.addi %add3A_279, %and3A_277 : vector<16xi32>
        %select_n3A_281 = arith.select %and3A_272, %sub3A_274, %add3A_280 : vector<16xi1>, vector<16xi32>
        %swap3A_282 = arith.index_cast %add3A_130 : i32 to index
        %swap3A_283 = arith.constant 80 : index
        %swap3A_284 = tpu.vector_load %arg7[%swap3A_282, %swap3A_283] {strides = array<i32>} : memref<64x128xi32, #tpu.memory_space<vmem>>, vector<1x16xi32>,
        %swap3A_285 = vector.shape_cast %swap3A_284 : vector<1x16xi32> to vector<16xi32>
        %swap3A_286 = vector.shape_cast %select_n3A_281 : vector<16xi32> to vector<1x16xi32>
        tpu.vector_store %arg7[%swap3A_282, %swap3A_283], %swap3A_286 {strides = array<i32>} : memref<64x128xi32, #tpu.memory_space<vmem>>, vector<1x16xi32>,
        %get3A_287 = arith.index_cast %add3A_130 : i32 to index
        %get3A_288 = arith.constant 96 : index
        %get3A_289 = tpu.vector_load %arg7[%get3A_287, %get3A_288] {strides = array<i32>} : memref<64x128xi32, #tpu.memory_space<vmem>>, vector<1x16xi32>,
        %get3A_290 = vector.shape_cast %get3A_289 : vector<1x16xi32> to vector<16xi32>
        %ge3A_291 = vector.broadcast %mul3A_0 : i32 to vector<16xi32>
        %ge3A_292 = arith.cmpi sge, %get3A_290, %ge3A_291 : vector<16xi32>
        %add3A_293 = arith.constant 5120 : i32
        %add3A_294 = arith.addi %mul3A_0, %add3A_293 : i32
        %lt3A_295 = vector.broadcast %add3A_294 : i32 to vector<16xi32>
        %lt3A_296 = arith.cmpi slt, %get3A_290, %lt3A_295 : vector<16xi32>
        %and3A_297 = arith.andi %ge3A_292, %lt3A_296 : vector<16xi1>
        %sub3A_298 = vector.broadcast %mul3A_0 : i32 to vector<16xi32>
        %sub3A_299 = arith.subi %get3A_290, %sub3A_298 : vector<16xi32>
        %and3A_300 = arith.constant 2047 : i32
        %and3A_301 = vector.broadcast %and3A_300 : i32 to vector<16xi32>
        %and3A_302 = arith.andi %get3A_290, %and3A_301 : vector<16xi32>
        %add3A_303 = arith.constant 5120 : i32
        %add3A_304 = vector.broadcast %add3A_303 : i32 to vector<16xi32>
        %add3A_305 = arith.addi %add3A_304, %and3A_302 : vector<16xi32>
        %select_n3A_306 = arith.select %and3A_297, %sub3A_299, %add3A_305 : vector<16xi1>, vector<16xi32>
        %swap3A_307 = arith.index_cast %add3A_130 : i32 to index
        %swap3A_308 = arith.constant 96 : index
        %swap3A_309 = tpu.vector_load %arg7[%swap3A_307, %swap3A_308] {strides = array<i32>} : memref<64x128xi32, #tpu.memory_space<vmem>>, vector<1x16xi32>,
        %swap3A_310 = vector.shape_cast %swap3A_309 : vector<1x16xi32> to vector<16xi32>
        %swap3A_311 = vector.shape_cast %select_n3A_306 : vector<16xi32> to vector<1x16xi32>
        tpu.vector_store %arg7[%swap3A_307, %swap3A_308], %swap3A_311 {strides = array<i32>} : memref<64x128xi32, #tpu.memory_space<vmem>>, vector<1x16xi32>,
        %get3A_312 = arith.index_cast %add3A_130 : i32 to index
        %get3A_313 = arith.constant 112 : index
        %get3A_314 = tpu.vector_load %arg7[%get3A_312, %get3A_313] {strides = array<i32>} : memref<64x128xi32, #tpu.memory_space<vmem>>, vector<1x16xi32>,
        %get3A_315 = vector.shape_cast %get3A_314 : vector<1x16xi32> to vector<16xi32>
        %ge3A_316 = vector.broadcast %mul3A_0 : i32 to vector<16xi32>
        %ge3A_317 = arith.cmpi sge, %get3A_315, %ge3A_316 : vector<16xi32>
        %add3A_318 = arith.constant 5120 : i32
        %add3A_319 = arith.addi %mul3A_0, %add3A_318 : i32
        %lt3A_320 = vector.broadcast %add3A_319 : i32 to vector<16xi32>
        %lt3A_321 = arith.cmpi slt, %get3A_315, %lt3A_320 : vector<16xi32>
        %and3A_322 = arith.andi %ge3A_317, %lt3A_321 : vector<16xi1>
        %sub3A_323 = vector.broadcast %mul3A_0 : i32 to vector<16xi32>
        %sub3A_324 = arith.subi %get3A_315, %sub3A_323 : vector<16xi32>
        %and3A_325 = arith.constant 2047 : i32
        %and3A_326 = vector.broadcast %and3A_325 : i32 to vector<16xi32>
        %and3A_327 = arith.andi %get3A_315, %and3A_326 : vector<16xi32>
        %add3A_328 = arith.constant 5120 : i32
        %add3A_329 = vector.broadcast %add3A_328 : i32 to vector<16xi32>
        %add3A_330 = arith.addi %add3A_329, %and3A_327 : vector<16xi32>
        %select_n3A_331 = arith.select %and3A_322, %sub3A_324, %add3A_330 : vector<16xi1>, vector<16xi32>
        %swap3A_332 = arith.index_cast %add3A_130 : i32 to index
        %swap3A_333 = arith.constant 112 : index
        %swap3A_334 = tpu.vector_load %arg7[%swap3A_332, %swap3A_333] {strides = array<i32>} : memref<64x128xi32, #tpu.memory_space<vmem>>, vector<1x16xi32>,
        %swap3A_335 = vector.shape_cast %swap3A_334 : vector<1x16xi32> to vector<16xi32>
        %swap3A_336 = vector.shape_cast %select_n3A_331 : vector<16xi32> to vector<1x16xi32>
        tpu.vector_store %arg7[%swap3A_332, %swap3A_333], %swap3A_336 {strides = array<i32>} : memref<64x128xi32, #tpu.memory_space<vmem>>, vector<1x16xi32>,
        %mul3A_337 = arith.constant 128 : i32
        %mul3A_338 = arith.muli %rem3A_129, %mul3A_337 : i32
        %dma_start3A_339 = arith.constant 0 : i32
        %dma_start3A_340 = tpu.memref_slice %arg8[%mul3A_338, %dma_start3A_339] : memref<384x128xf32, #tpu.memory_space<vmem>> -> memref<128x128xf32, #tpu.memory_space<vmem>>
        %dma_start3A_341 = arith.constant 0 : i32
        %dma_start3A_342 = tpu.memref_slice %arg7[%add3A_130, %dma_start3A_341] : memref<64x128xi32, #tpu.memory_space<vmem>> -> memref<1x128xi32, #tpu.memory_space<vmem>>
        %dma_start3A_343 = tpu.memref_squeeze %dma_start3A_342 : memref<1x128xi32, #tpu.memory_space<vmem>> -> memref<128xi32, #tpu.memory_space<vmem>>
        %dma_start3A_344 = arith.constant 0 : i32
        %dma_start3A_345 = arith.constant 0 : i32
        %dma_start3A_346 = tpu.memref_slice %arg9[%dma_start3A_344, %dma_start3A_345] : memref<7168x128xf32, #tpu.memory_space<vmem_shared>> -> memref<7168x128xf32, #tpu.memory_space<vmem_shared>>
        tpu.enqueue_indirect_dma source(%dma_start3A_340 : memref<128x128xf32, #tpu.memory_space<vmem>>) target(%dma_start3A_346 : memref<7168x128xf32, #tpu.memory_space<vmem_shared>>) offsets(%dma_start3A_343 : memref<128xi32, #tpu.memory_space<vmem>>) semaphore(%arg11 : memref<!tpu.dma_semaphore, #tpu.memory_space<semaphore_mem>>) {add = true}
        %add3A_347 = arith.constant 3 : i32
        %add3A_348 = arith.addi %scan3A_127, %add3A_347 : i32
        %lt3A_349 = arith.constant 32 : i32
        %lt3A_350 = arith.cmpi slt, %add3A_348, %lt3A_349 : i32
        %convert_element_type3A_351 = arith.extui %lt3A_350 : i1 to i32
        %cond3A_352 = arith.constant 0 : i32
        %cond3A_353 = arith.cmpi ne, %convert_element_type3A_351, %cond3A_352 : i32
        scf.if %cond3A_353 {
          %mul3A_354 = arith.constant 128 : i32
          %mul3A_355 = arith.muli %rem3A_129, %mul3A_354 : i32
          %dma_wait3A_356 = arith.constant 0 : i32
          %dma_wait3A_357 = tpu.memref_slice %arg8[%mul3A_355, %dma_wait3A_356] : memref<384x128xf32, #tpu.memory_space<vmem>> -> memref<128x128xf32, #tpu.memory_space<vmem>>
          %dma_wait3A_358 = arith.constant 0 : i32
          %dma_wait3A_359 = arith.constant 0 : i32
          %dma_wait3A_360 = tpu.memref_slice %arg2[%dma_wait3A_358, %dma_wait3A_359] : memref<12288x128xf32, #tpu.memory_space<hbm>> -> memref<128x128xf32, #tpu.memory_space<hbm>>
          %dma_wait3A_361 = arith.constant 0 : i32
          %dma_wait3A_362 = tpu.memref_slice %arg8[%mul3A_355, %dma_wait3A_361] : memref<384x128xf32, #tpu.memory_space<vmem>> -> memref<128x128xf32, #tpu.memory_space<vmem>>
          %dma_wait3A_363 = arith.constant 0 : i32
          %dma_wait3A_364 = arith.constant 0 : i32
          %dma_wait3A_365 = tpu.memref_slice %arg2[%dma_wait3A_363, %dma_wait3A_364] : memref<12288x128xf32, #tpu.memory_space<hbm>> -> memref<128x128xf32, #tpu.memory_space<hbm>>
          tpu.wait_dma2 semaphore(%arg11 : memref<!tpu.dma_semaphore, #tpu.memory_space<semaphore_mem>>) src(%dma_wait3A_365 : memref<128x128xf32, #tpu.memory_space<hbm>>) dst(%dma_wait3A_362 : memref<128x128xf32, #tpu.memory_space<vmem>>)
          %add3A_366 = arith.addi %mul3A_37, %scan3A_127 : i32
          %add3A_367 = arith.constant 3 : i32
          %add3A_368 = arith.addi %add3A_366, %add3A_367 : i32
          %mul3A_369 = arith.constant 128 : i32
          %mul3A_370 = arith.muli %rem3A_129, %mul3A_369 : i32
          %dma_start3A_371 = arith.constant 0 : i32
          %dma_start3A_372 = tpu.memref_slice %arg8[%mul3A_370, %dma_start3A_371] : memref<384x128xf32, #tpu.memory_space<vmem>> -> memref<128x128xf32, #tpu.memory_space<vmem>>
          %dma_start3A_373 = arith.constant 0 : i32
          %dma_start3A_374 = tpu.memref_slice %arg6[%add3A_368, %dma_start3A_373] : memref<64x128xi32, #tpu.memory_space<vmem>> -> memref<1x128xi32, #tpu.memory_space<vmem>>
          %dma_start3A_375 = tpu.memref_squeeze %dma_start3A_374 : memref<1x128xi32, #tpu.memory_space<vmem>> -> memref<128xi32, #tpu.memory_space<vmem>>
          %dma_start3A_376 = arith.constant 0 : i32
          %dma_start3A_377 = arith.constant 0 : i32
          %dma_start3A_378 = tpu.memref_slice %arg2[%dma_start3A_376, %dma_start3A_377] : memref<12288x128xf32, #tpu.memory_space<hbm>> -> memref<12288x128xf32, #tpu.memory_space<hbm>>
          tpu.enqueue_indirect_dma source(%dma_start3A_378 : memref<12288x128xf32, #tpu.memory_space<hbm>>) target(%dma_start3A_372 : memref<128x128xf32, #tpu.memory_space<vmem>>) offsets(%dma_start3A_375 : memref<128xi32, #tpu.memory_space<vmem>>) semaphore(%arg10 : memref<!tpu.dma_semaphore, #tpu.memory_space<semaphore_mem>>)
        } else {
        }
      }
      %scan3A_84 = arith.constant 32 : i32
      %dma_wait3A = arith.constant 0 : i32
      %dma_wait3A_85 = arith.constant 0 : i32
      %dma_wait3A_86 = tpu.memref_slice %arg8[%dma_wait3A, %dma_wait3A_85] : memref<384x128xf32, #tpu.memory_space<vmem>> -> memref<128x128xf32, #tpu.memory_space<vmem>>
      %dma_wait3A_87 = arith.constant 0 : i32
      %dma_wait3A_88 = arith.constant 0 : i32
      %dma_wait3A_89 = tpu.memref_slice %arg2[%dma_wait3A_87, %dma_wait3A_88] : memref<12288x128xf32, #tpu.memory_space<hbm>> -> memref<128x128xf32, #tpu.memory_space<hbm>>
      %dma_wait3A_90 = arith.constant 0 : i32
      %dma_wait3A_91 = arith.constant 0 : i32
      %dma_wait3A_92 = tpu.memref_slice %arg8[%dma_wait3A_90, %dma_wait3A_91] : memref<384x128xf32, #tpu.memory_space<vmem>> -> memref<128x128xf32, #tpu.memory_space<vmem>>
      %dma_wait3A_93 = arith.constant 0 : i32
      %dma_wait3A_94 = arith.constant 0 : i32
      %dma_wait3A_95 = tpu.memref_slice %arg2[%dma_wait3A_93, %dma_wait3A_94] : memref<12288x128xf32, #tpu.memory_space<hbm>> -> memref<128x128xf32, #tpu.memory_space<hbm>>
      tpu.wait_dma2 semaphore(%arg11 : memref<!tpu.dma_semaphore, #tpu.memory_space<semaphore_mem>>) src(%dma_wait3A_95 : memref<128x128xf32, #tpu.memory_space<hbm>>) dst(%dma_wait3A_92 : memref<128x128xf32, #tpu.memory_space<vmem>>)
      %dma_wait3A_96 = arith.constant 128 : i32
      %dma_wait3A_97 = arith.constant 0 : i32
      %dma_wait3A_98 = tpu.memref_slice %arg8[%dma_wait3A_96, %dma_wait3A_97] : memref<384x128xf32, #tpu.memory_space<vmem>> -> memref<128x128xf32, #tpu.memory_space<vmem>>
      %dma_wait3A_99 = arith.constant 0 : i32
      %dma_wait3A_100 = arith.constant 0 : i32
      %dma_wait3A_101 = tpu.memref_slice %arg2[%dma_wait3A_99, %dma_wait3A_100] : memref<12288x128xf32, #tpu.memory_space<hbm>> -> memref<128x128xf32, #tpu.memory_space<hbm>>
      %dma_wait3A_102 = arith.constant 128 : i32
      %dma_wait3A_103 = arith.constant 0 : i32
      %dma_wait3A_104 = tpu.memref_slice %arg8[%dma_wait3A_102, %dma_wait3A_103] : memref<384x128xf32, #tpu.memory_space<vmem>> -> memref<128x128xf32, #tpu.memory_space<vmem>>
      %dma_wait3A_105 = arith.constant 0 : i32
      %dma_wait3A_106 = arith.constant 0 : i32
      %dma_wait3A_107 = tpu.memref_slice %arg2[%dma_wait3A_105, %dma_wait3A_106] : memref<12288x128xf32, #tpu.memory_space<hbm>> -> memref<128x128xf32, #tpu.memory_space<hbm>>
      tpu.wait_dma2 semaphore(%arg11 : memref<!tpu.dma_semaphore, #tpu.memory_space<semaphore_mem>>) src(%dma_wait3A_107 : memref<128x128xf32, #tpu.memory_space<hbm>>) dst(%dma_wait3A_104 : memref<128x128xf32, #tpu.memory_space<vmem>>)
      %dma_wait3A_108 = arith.constant 256 : i32
      %dma_wait3A_109 = arith.constant 0 : i32
      %dma_wait3A_110 = tpu.memref_slice %arg8[%dma_wait3A_108, %dma_wait3A_109] : memref<384x128xf32, #tpu.memory_space<vmem>> -> memref<128x128xf32, #tpu.memory_space<vmem>>
      %dma_wait3A_111 = arith.constant 0 : i32
      %dma_wait3A_112 = arith.constant 0 : i32
      %dma_wait3A_113 = tpu.memref_slice %arg2[%dma_wait3A_111, %dma_wait3A_112] : memref<12288x128xf32, #tpu.memory_space<hbm>> -> memref<128x128xf32, #tpu.memory_space<hbm>>
      %dma_wait3A_114 = arith.constant 256 : i32
      %dma_wait3A_115 = arith.constant 0 : i32
      %dma_wait3A_116 = tpu.memref_slice %arg8[%dma_wait3A_114, %dma_wait3A_115] : memref<384x128xf32, #tpu.memory_space<vmem>> -> memref<128x128xf32, #tpu.memory_space<vmem>>
      %dma_wait3A_117 = arith.constant 0 : i32
      %dma_wait3A_118 = arith.constant 0 : i32
      %dma_wait3A_119 = tpu.memref_slice %arg2[%dma_wait3A_117, %dma_wait3A_118] : memref<12288x128xf32, #tpu.memory_space<hbm>> -> memref<128x128xf32, #tpu.memory_space<hbm>>
      tpu.wait_dma2 semaphore(%arg11 : memref<!tpu.dma_semaphore, #tpu.memory_space<semaphore_mem>>) src(%dma_wait3A_119 : memref<128x128xf32, #tpu.memory_space<hbm>>) dst(%dma_wait3A_116 : memref<128x128xf32, #tpu.memory_space<vmem>>)
      %add3A_120 = arith.constant 1 : i32
      %add3A_121 = arith.addi %scan3A_34, %add3A_120 : i32
      %lt3A_122 = arith.constant 5 : i32
      %lt3A_123 = arith.cmpi slt, %add3A_121, %lt3A_122 : i32
      %convert_element_type3A_124 = arith.extui %lt3A_123 : i1 to i32
      %cond3A_125 = arith.constant 0 : i32
      %cond3A_126 = arith.cmpi ne, %convert_element_type3A_124, %cond3A_125 : i32
      scf.if %cond3A_126 {
        %dma_wait3A_127 = arith.constant 0 : i32
        %dma_wait3A_128 = arith.constant 0 : i32
        %dma_wait3A_129 = tpu.memref_slice %arg6[%dma_wait3A_127, %dma_wait3A_128] : memref<64x128xi32, #tpu.memory_space<vmem>> -> memref<32x128xi32, #tpu.memory_space<vmem>>
        %dma_wait3A_130 = arith.constant 0 : i32
        %dma_wait3A_131 = arith.constant 0 : i32
        %dma_wait3A_132 = tpu.memref_slice %arg3[%dma_wait3A_130, %dma_wait3A_131] : memref<2560x128xi32, #tpu.memory_space<hbm>> -> memref<32x128xi32, #tpu.memory_space<hbm>>
        %dma_wait3A_133 = arith.constant 0 : i32
        %dma_wait3A_134 = arith.constant 0 : i32
        %dma_wait3A_135 = tpu.memref_slice %arg6[%dma_wait3A_133, %dma_wait3A_134] : memref<64x128xi32, #tpu.memory_space<vmem>> -> memref<32x128xi32, #tpu.memory_space<vmem>>
        %dma_wait3A_136 = arith.constant 0 : i32
        %dma_wait3A_137 = arith.constant 0 : i32
        %dma_wait3A_138 = tpu.memref_slice %arg3[%dma_wait3A_136, %dma_wait3A_137] : memref<2560x128xi32, #tpu.memory_space<hbm>> -> memref<32x128xi32, #tpu.memory_space<hbm>>
        tpu.wait_dma2 semaphore(%arg12 : memref<!tpu.dma_semaphore, #tpu.memory_space<semaphore_mem>>) src(%dma_wait3A_138 : memref<32x128xi32, #tpu.memory_space<hbm>>) dst(%dma_wait3A_135 : memref<32x128xi32, #tpu.memory_space<vmem>>)
        %dma_wait3A_139 = arith.constant 0 : i32
        %dma_wait3A_140 = arith.constant 0 : i32
        %dma_wait3A_141 = tpu.memref_slice %arg7[%dma_wait3A_139, %dma_wait3A_140] : memref<64x128xi32, #tpu.memory_space<vmem>> -> memref<32x128xi32, #tpu.memory_space<vmem>>
        %dma_wait3A_142 = arith.constant 0 : i32
        %dma_wait3A_143 = arith.constant 0 : i32
        %dma_wait3A_144 = tpu.memref_slice %arg4[%dma_wait3A_142, %dma_wait3A_143] : memref<2560x128xi32, #tpu.memory_space<hbm>> -> memref<32x128xi32, #tpu.memory_space<hbm>>
        %dma_wait3A_145 = arith.constant 0 : i32
        %dma_wait3A_146 = arith.constant 0 : i32
        %dma_wait3A_147 = tpu.memref_slice %arg7[%dma_wait3A_145, %dma_wait3A_146] : memref<64x128xi32, #tpu.memory_space<vmem>> -> memref<32x128xi32, #tpu.memory_space<vmem>>
        %dma_wait3A_148 = arith.constant 0 : i32
        %dma_wait3A_149 = arith.constant 0 : i32
        %dma_wait3A_150 = tpu.memref_slice %arg4[%dma_wait3A_148, %dma_wait3A_149] : memref<2560x128xi32, #tpu.memory_space<hbm>> -> memref<32x128xi32, #tpu.memory_space<hbm>>
        tpu.wait_dma2 semaphore(%arg12 : memref<!tpu.dma_semaphore, #tpu.memory_space<semaphore_mem>>) src(%dma_wait3A_150 : memref<32x128xi32, #tpu.memory_space<hbm>>) dst(%dma_wait3A_147 : memref<32x128xi32, #tpu.memory_space<vmem>>)
      } else {
      }
    }
    %scan3A_27 = arith.constant 5 : i32
    %barrier3A_28 = arith.constant 0 : index
    tpu.barrier barrier_id(%barrier3A_28)
    %mul3A_29 = arith.constant 320 : i32
    %mul3A_30 = arith.muli %arg1, %mul3A_29 : i32
    %mul3A_31 = arith.constant 320 : i32
    %mul3A_32 = arith.muli %arg1, %mul3A_31 : i32
    %add3A_33 = arith.addi %mul3A_0, %mul3A_32 : i32
    "tpu.region"() ({
      %run_scoped3A = tpu.sem_alloc : memref<!tpu.dma_semaphore, #tpu.memory_space<semaphore_mem>>
      %dma_start3A = arith.constant 0 : i32
      %dma_start3A_34 = tpu.memref_slice %arg5[%add3A_33, %dma_start3A] : memref<10240x128xf32, #tpu.memory_space<hbm>> -> memref<320x128xf32, #tpu.memory_space<hbm>>
      %dma_start3A_35 = arith.constant 0 : i32
      %dma_start3A_36 = tpu.memref_slice %arg9[%mul3A_30, %dma_start3A_35] : memref<7168x128xf32, #tpu.memory_space<vmem_shared>> -> memref<320x128xf32, #tpu.memory_space<vmem_shared>>
      tpu.enqueue_dma source(%dma_start3A_36 : memref<320x128xf32, #tpu.memory_space<vmem_shared>>) target(%dma_start3A_34 : memref<320x128xf32, #tpu.memory_space<hbm>>) target_semaphore(%run_scoped3A : memref<!tpu.dma_semaphore, #tpu.memory_space<semaphore_mem>>)
      %dma_wait3A = arith.constant 0 : i32
      %dma_wait3A_37 = tpu.memref_slice %arg5[%add3A_33, %dma_wait3A] : memref<10240x128xf32, #tpu.memory_space<hbm>> -> memref<320x128xf32, #tpu.memory_space<hbm>>
      %dma_wait3A_38 = arith.constant 0 : i32
      %dma_wait3A_39 = tpu.memref_slice %arg9[%mul3A_30, %dma_wait3A_38] : memref<7168x128xf32, #tpu.memory_space<vmem_shared>> -> memref<320x128xf32, #tpu.memory_space<vmem_shared>>
      tpu.wait_dma2 semaphore(%run_scoped3A : memref<!tpu.dma_semaphore, #tpu.memory_space<semaphore_mem>>) src(%dma_wait3A_39 : memref<320x128xf32, #tpu.memory_space<vmem_shared>>) dst(%dma_wait3A_37 : memref<320x128xf32, #tpu.memory_space<hbm>>)
      tpu.yield
    }) : () -> ()
    return
  }
}

module attributes {stable_mosaic.version = 14 : i64} {
  func.func @_tc_body(%arg0: i32, %arg1: memref<512x128xf32, #tpu.memory_space<vmem>>, %arg2: memref<512x128xf32, #tpu.memory_space<vmem>>, %arg3: memref<128x128xf32, #tpu.memory_space<vmem>>, %arg4: memref<128x128xf32, #tpu.memory_space<vmem>>, %arg5: memref<1x128xf32, #tpu.memory_space<vmem>>, %arg6: memref<8x128xf32, #tpu.memory_space<vmem>>) attributes {dimension_semantics = [#tpu.dimension_semantics<arbitrary>], iteration_bounds = array<i64: 20>, scalar_prefetch = 0 : i64, scratch_operands = 1 : i64, tpu.core_type = #tpu.core_type<tc>, window_params = [{transform_indices = @transform_0, window_bounds = array<i64: 512, 128>}, {transform_indices = @transform_1, window_bounds = array<i64: 512, 128>}, {pipeline_mode = #tpu.pipeline_mode<synchronous>, transform_indices = @transform_2, window_bounds = array<i64: 128, 128>}, {pipeline_mode = #tpu.pipeline_mode<synchronous>, transform_indices = @transform_3, window_bounds = array<i64: 128, 128>}, {pipeline_mode = #tpu.pipeline_mode<synchronous>, transform_indices = @transform_4, window_bounds = array<i64: 1, 128>}]} {
    %get3A = arith.constant 0 : index
    %get3A_0 = arith.constant 0 : index
    %get3A_1 = vector.load %arg1[%get3A, %get3A_0] : memref<512x128xf32, #tpu.memory_space<vmem>>, vector<512x128xf32>
    %get3A_2 = arith.constant 0 : index
    %get3A_3 = arith.constant 0 : index
    %get3A_4 = vector.load %arg3[%get3A_2, %get3A_3] : memref<128x128xf32, #tpu.memory_space<vmem>>, vector<128x128xf32>
    %dot_general3A = arith.constant dense<0.000000e+00> : vector<512x128xf32>
    %dot_general3A_5 = tpu.matmul %get3A_1, %get3A_4, %dot_general3A {dimension_numbers = #tpu.dot_dimension_numbers<[1], [1], [0], [0], [0, 0, 1, 0], [], []>, transpose_lhs_hint = false} : vector<512x128xf32>, vector<128x128xf32>, vector<512x128xf32> -> vector<512x128xf32>
    %get3A_6 = arith.constant 0 : index
    %get3A_7 = arith.constant 0 : index
    %get3A_8 = vector.load %arg2[%get3A_6, %get3A_7] : memref<512x128xf32, #tpu.memory_space<vmem>>, vector<512x128xf32>
    %get3A_9 = arith.constant 0 : index
    %get3A_10 = arith.constant 0 : index
    %get3A_11 = vector.load %arg4[%get3A_9, %get3A_10] : memref<128x128xf32, #tpu.memory_space<vmem>>, vector<128x128xf32>
    %dot_general3A_12 = arith.constant dense<0.000000e+00> : vector<512x128xf32>
    %dot_general3A_13 = tpu.matmul %get3A_8, %get3A_11, %dot_general3A_12 {dimension_numbers = #tpu.dot_dimension_numbers<[1], [1], [0], [0], [0, 0, 1, 0], [], []>, transpose_lhs_hint = false} : vector<512x128xf32>, vector<128x128xf32>, vector<512x128xf32> -> vector<512x128xf32>
    %add3A = arith.addf %dot_general3A_5, %dot_general3A_13 : vector<512x128xf32>
    %max3A = arith.constant 0.000000e+00 : f32
    %max3A_14 = vector.broadcast %max3A : f32 to vector<512x128xf32>
    %max3A_15 = arith.maximumf %add3A, %max3A_14 : vector<512x128xf32>
    %mul3A = arith.constant 512 : i32
    %mul3A_16 = arith.muli %arg0, %mul3A : i32
    %iota3A = tpu.iota {dimensions = array<i32: 0>} : vector<512x1xi32>
    %add3A_17 = vector.broadcast %mul3A_16 : i32 to vector<512x1xi32>
    %add3A_18 = arith.addi %add3A_17, %iota3A : vector<512x1xi32>
    %lt3A = arith.constant 10000 : i32
    %lt3A_19 = vector.broadcast %lt3A : i32 to vector<512x1xi32>
    %lt3A_20 = arith.cmpi slt, %add3A_18, %lt3A_19 : vector<512x1xi32>
    %jit3A = arith.constant 0.000000e+00 : f32
    %broadcast_in_dim3A = vector.shape_cast %lt3A_20 : vector<512x1xi1> to vector<512x1xi1>
    %broadcast_in_dim3A_21 = vector.broadcast %broadcast_in_dim3A : vector<512x1xi1> to vector<512x128xi1>
    %broadcast_in_dim3A_22 = vector.broadcast %jit3A : f32 to vector<512x128xf32>
    %select_n3A = arith.select %broadcast_in_dim3A_21, %max3A_15, %broadcast_in_dim3A_22 : vector<512x128xi1>, vector<512x128xf32>
    %eq3A = arith.constant 0 : i32
    %eq3A_23 = arith.cmpi eq, %arg0, %eq3A : i32
    %convert_element_type3A = arith.extui %eq3A_23 : i1 to i32
    %cond3A = arith.constant 0 : i32
    %cond3A_24 = arith.cmpi ne, %convert_element_type3A, %cond3A : i32
    scf.if %cond3A_24 {
      %broadcast_in_dim3A_37 = arith.constant 0.000000e+00 : f32
      %broadcast_in_dim3A_38 = vector.broadcast %broadcast_in_dim3A_37 : f32 to vector<8x128xf32>
      %swap3A_39 = arith.constant 0 : index
      %swap3A_40 = arith.constant 0 : index
      %swap3A_41 = vector.load %arg6[%swap3A_39, %swap3A_40] : memref<8x128xf32, #tpu.memory_space<vmem>>, vector<8x128xf32>
      tpu.vector_store %arg6[%swap3A_39, %swap3A_40], %broadcast_in_dim3A_38 {strides = array<i32>} : memref<8x128xf32, #tpu.memory_space<vmem>>, vector<8x128xf32>,
    } else {
    }
    %get3A_25 = arith.constant 0 : index
    %get3A_26 = arith.constant 0 : index
    %get3A_27 = vector.load %arg6[%get3A_25, %get3A_26] : memref<8x128xf32, #tpu.memory_space<vmem>>, vector<8x128xf32>
    %reshape3A = vector.shape_cast %select_n3A : vector<512x128xf32> to vector<64x8x128xf32>
    %reduce_sum3A = arith.constant dense<0.000000e+00> : vector<8x128xf32>
    %reduce_sum3A_28 = vector.multi_reduction <add>, %reshape3A, %reduce_sum3A [0] : vector<64x8x128xf32> to vector<8x128xf32>
    %add3A_29 = arith.addf %get3A_27, %reduce_sum3A_28 : vector<8x128xf32>
    %swap3A = arith.constant 0 : index
    %swap3A_30 = arith.constant 0 : index
    %swap3A_31 = vector.load %arg6[%swap3A, %swap3A_30] : memref<8x128xf32, #tpu.memory_space<vmem>>, vector<8x128xf32>
    tpu.vector_store %arg6[%swap3A, %swap3A_30], %add3A_29 {strides = array<i32>} : memref<8x128xf32, #tpu.memory_space<vmem>>, vector<8x128xf32>,
    %eq3A_32 = arith.constant 19 : i32
    %eq3A_33 = arith.cmpi eq, %arg0, %eq3A_32 : i32
    %convert_element_type3A_34 = arith.extui %eq3A_33 : i1 to i32
    %cond3A_35 = arith.constant 0 : i32
    %cond3A_36 = arith.cmpi ne, %convert_element_type3A_34, %cond3A_35 : i32
    scf.if %cond3A_36 {
      %get3A_37 = arith.constant 0 : index
      %get3A_38 = arith.constant 0 : index
      %get3A_39 = vector.load %arg6[%get3A_37, %get3A_38] : memref<8x128xf32, #tpu.memory_space<vmem>>, vector<8x128xf32>
      %reduce_sum3A_40 = arith.constant dense<0.000000e+00> : vector<128xf32>
      %reduce_sum3A_41 = vector.multi_reduction <add>, %get3A_39, %reduce_sum3A_40 [0] : vector<8x128xf32> to vector<128xf32>
      %broadcast_in_dim3A_42 = vector.shape_cast %reduce_sum3A_41 : vector<128xf32> to vector<1x128xf32>
      %reduce_max3A = vector.shape_cast %broadcast_in_dim3A_42 : vector<1x128xf32> to vector<1x1x128xf32>
      %reduce_max3A_43 = arith.constant dense<0xFF800000> : vector<1xf32>
      %reduce_max3A_44 = vector.multi_reduction <maximumf>, %reduce_max3A, %reduce_max3A_43 [1, 2] : vector<1x1x128xf32> to vector<1xf32>
      %reduce_max3A_45 = vector.shape_cast %reduce_max3A_44 : vector<1xf32> to vector<1x1x1xf32>
      %reduce_max3A_46 = vector.extract %reduce_max3A_45[0, 0, 0] : f32 from vector<1x1x1xf32>
      %sub3A = vector.broadcast %reduce_max3A_46 : f32 to vector<1x128xf32>
      %sub3A_47 = arith.subf %broadcast_in_dim3A_42, %sub3A : vector<1x128xf32>
      %exp3A = math.exp %sub3A_47 : vector<1x128xf32>
      %reduce_sum3A_48 = vector.shape_cast %exp3A : vector<1x128xf32> to vector<1x1x128xf32>
      %reduce_sum3A_49 = arith.constant dense<0.000000e+00> : vector<1xf32>
      %reduce_sum3A_50 = vector.multi_reduction <add>, %reduce_sum3A_48, %reduce_sum3A_49 [1, 2] : vector<1x1x128xf32> to vector<1xf32>
      %reduce_sum3A_51 = vector.shape_cast %reduce_sum3A_50 : vector<1xf32> to vector<1x1x1xf32>
      %reduce_sum3A_52 = vector.extract %reduce_sum3A_51[0, 0, 0] : f32 from vector<1x1x1xf32>
      %div3A = vector.broadcast %reduce_sum3A_52 : f32 to vector<1x128xf32>
      %div3A_53 = arith.divf %exp3A, %div3A : vector<1x128xf32>
      %swap3A_54 = arith.constant 0 : index
      %swap3A_55 = arith.constant 0 : index
      %swap3A_56 = vector.load %arg5[%swap3A_54, %swap3A_55] : memref<1x128xf32, #tpu.memory_space<vmem>>, vector<1x128xf32>
      tpu.vector_store %arg5[%swap3A_54, %swap3A_55], %div3A_53 {strides = array<i32>} : memref<1x128xf32, #tpu.memory_space<vmem>>, vector<1x128xf32>,
    } else {
    }
    return
  }
  func.func @transform_0(%arg0: i32) -> (i32, i32) {
    %c0_i32 = arith.constant 0 : i32
    %c0_i32_0 = arith.constant 0 : i32
    return %arg0, %c0_i32 : i32, i32
  }
  func.func @transform_1(%arg0: i32) -> (i32, i32) {
    %c0_i32 = arith.constant 0 : i32
    %c0_i32_0 = arith.constant 0 : i32
    return %arg0, %c0_i32 : i32, i32
  }
  func.func @transform_2(%arg0: i32) -> (i32, i32) {
    %c0_i32 = arith.constant 0 : i32
    %c0_i32_0 = arith.constant 0 : i32
    %c0_i32_1 = arith.constant 0 : i32
    return %c0_i32, %c0_i32_0 : i32, i32
  }
  func.func @transform_3(%arg0: i32) -> (i32, i32) {
    %c0_i32 = arith.constant 0 : i32
    %c0_i32_0 = arith.constant 0 : i32
    %c0_i32_1 = arith.constant 0 : i32
    return %c0_i32, %c0_i32_0 : i32, i32
  }
  func.func @transform_4(%arg0: i32) -> (i32, i32) {
    %c0_i32 = arith.constant 0 : i32
    %c0_i32_0 = arith.constant 0 : i32
    %c0_i32_1 = arith.constant 0 : i32
    return %c0_i32, %c0_i32_0 : i32, i32
  }
}

</mosaic_0001>

<sc_bundles>
// kernel: kernel.5.cloned.1.call-start
scs
__scs_entry_jumppad:
0x0: {  	(pc) =	sbr.rel $0x88, $3  }
0x1: {  	(tag) =	ssettag $0x0;
	lr =	simm.s32 $0x1  }
0x2: {  	[smem:$0x3F9C] =	sst lr;
	_ =	strace $0xD0000000  }
0x3: {  	_ = 	snop  }
0x4: {  	_ = 	snop  }
0x5: {  	_ = 	snop  }
0x6: {  	_ = 	snop  }
0x7: {  	_ = 	snop  }
__scs_overlays_trampoline_lowered:
0x8: {  	[smem:$0x3FAB] =	sst s0  }
0x9: {  	[smem:$0x3FAC] =	sst s1  }
0xa: {  	[smem:$0x3FAD] =	sst s2  }
0xb: {  	[smem:$0x3FAE] =	sst s3  }
0xc: {  	[smem:$0x3FAF] =	sst s4  }
0xd: {  	[smem:$0x3FB0] =	sst s5  }
0xe: {  	[smem:$0x3FB1] =	sst s6  }
0xf: {  	[smem:$0x3FB2] =	sst s7  }
0x10: {  	[smem:$0x3FB3] =	sst s8  }
0x11: {  	[smem:$0x3FB4] =	sst s9;
	s0 =	simm.s32 @!p0 $0x0  }
0x12: {  	s1 =	sld [smem:$0x3F9A];
	s0 =	simm.s32 @p0 $0x1  }
0x13: {  	[smem:$0x3FB5] =	sst s0;
	s0 =	simm.s32 @!p1 $0x0  }
0x14: {  	s2 =	sld [smem:$0x3F99];
	s0 =	simm.s32 @p1 $0x1  }
0x15: {  	[smem:$0x3FB6] =	sst s0;
	s0 =	simm.s32 @!p2 $0x0  }
0x16: {  	s3 =	sld [smem:$0x3FDB];
	s0 =	simm.s32 @p2 $0x1  }
0x17: {  	s4 =	simm.s32 $0x1BF5;
	[smem:$0x3FB8] =	sst s0  }
0x18: {  	s0 =	sld [smem:$0x3F9B];
	_ =	swait.ge [sflag:s4], $0x0  }
0x19: {  	s7 =	sld [smem:$0x3F9C]  }
0x1a: {  	s8 =	sadd.s32 $0xFFFFE003, lr  }
0x1b: {  	s9 =	sadd.s32 $0xFFFFFEF7, lr;
	s5 =	simm.s32 $0xFFFFFFFF;
	p2 =	slt.u32 s8, $0xFFFFF086  }
0x1c: {  	p1 =	slt.u32 s9, $0xF7A;
	s5 =	simm.s32 @!p2 $0x0  }
0x1d: {  	s5 =	simm.s32 @p1 $0x1;
	p0 =	seq.s32 s7, s2  }
0x1e: {  	s7 =	smul.u32 @!p0 $0xF7A, s2;
	p2 =	seq.s32 @!p0 s5, $0x0  }
0x1f: {  	s9 =	smul.u32 $0xF7A, s1;
	s8 =	simm.s32 @!p0 $0x1BF5;
	p2 =	por !p2, p0  }
0x20: {  	[sflag:s8] =	ssyncset.s32 @!p0 $0xFFFFF086;
	s6 =	sadd.s32 @!p0 s3, s7;
	s7 =	simm.s32 @!p0 $0x108  }
0x21: {  	s3 =	sadd.s32 s3, s9;
	s6 =	sadd.s32 @!p0 $0x88, s6;
	s7 =	simm.s32 @p2 $0x1082  }
0x22: {  	[simem:s7], [sflag:s8] =	dma.local @!p0 [hbm:s6], $0xF7A  }
0x23: {  	s9 =	sor.u32 $0xD0000000, s2;
	s6 =	simm.s32 $0x108;
	_ =	swait.ge @!p0 [sflag:s8], $0x0  }
0x24: {  	s3 =	sadd.s32 $0x88, s3;
	s6 =	simm.s32 @!p1 $0x1082;
	[sflag:s4] =	ssyncset.s32 $0xFFFFF086  }
0x25: {  	[simem:s6], [sflag:s4] =	dma.local [hbm:s3], $0xF7A  }
0x26: {  	[smem:$0x3F9C] =	sst s1;
	(tag) =	ssettag s2;
	_ =	strace s9  }
0x27: {  	s1 =	sld [smem:$0x3FAC]  }
0x28: {  	s2 =	sld [smem:$0x3FAD]  }
0x29: {  	s4 =	sld [smem:$0x3FAF]  }
0x2a: {  	p0 =	seq.s32 s5, $0x0;
	s5 =	sld [smem:$0x3FB0]  }
0x2b: {  	s6 =	sld [smem:$0x3FB1]  }
0x2c: {  	s7 =	sld [smem:$0x3FB2]  }
0x2d: {  	s3 =	simm.s32 $0x108;
	s8 =	sld [smem:$0x3FB3]  }
0x2e: {  	s3 =	simm.s32 @!p0 $0x1082;
	s9 =	sld [smem:$0x3FB4]  }
0x2f: {  	lr =	sadd.s32 s0, s3;
	s0 =	sld [smem:$0x3FAB]  }
0x30: {  	s3 =	sld [smem:$0x3FAE]  }
0x31: {  	[smem:$0x3FB7] =	sst s10  }
0x32: {  	s10 =	sld [smem:$0x3FB5];
	_ =	sdelay $0x3  }
0x33: {  	p0 =	seq.s32 s10, $0x1;
	s10 =	sld [smem:$0x3FB7];
	_ =	sdelay $0x3  }
0x34: {  	[smem:$0x3FB7] =	sst s10  }
0x35: {  	s10 =	sld [smem:$0x3FB6];
	_ =	sdelay $0x3  }
0x36: {  	p1 =	seq.s32 s10, $0x1;
	s10 =	sld [smem:$0x3FB7];
	_ =	sdelay $0x3  }
0x37: {  	[smem:$0x3FB7] =	sst s10  }
0x38: {  	s10 =	sld [smem:$0x3FB8]  }
0x39: {  	_ = 	snop;
	(pc) =	sbr.ind lr, $3  }
0x3a: {  	_ = 	snop  }
0x3b: {  	_ = 	snop  }
0x3c: {  	p2 =	seq.s32 s10, $0x1;
	s10 =	sld [smem:$0x3FB7]  }
0x3d: {  	_ =	shalt  }
0x3e: {  	_ =	shalt  }
0x3f: {  	_ =	shalt  }
0x40: {  	_ =	shalt  }
0x41: {  	_ =	shalt  }
0x42: {  	_ =	shalt  }
0x43: {  	_ =	shalt  }
0x44: {  	_ =	shalt  }
0x45: {  	_ =	shalt  }
0x46: {  	_ =	shalt  }
0x47: {  	_ =	shalt  }
0x48: {  	_ =	shalt  }
0x49: {  	_ =	shalt  }
0x4a: {  	_ =	shalt  }
0x4b: {  	_ =	shalt  }
0x4c: {  	_ =	shalt  }
0x4d: {  	_ =	shalt  }
0x4e: {  	_ =	shalt  }
0x4f: {  	_ =	shalt  }
0x50: {  	_ =	shalt  }
0x51: {  	_ =	shalt  }
0x52: {  	_ =	shalt  }
0x53: {  	_ =	shalt  }
0x54: {  	_ =	shalt  }
0x55: {  	_ =	shalt  }
0x56: {  	_ =	shalt  }
0x57: {  	_ =	shalt  }
0x58: {  	_ =	shalt  }
0x59: {  	_ =	shalt  }
0x5a: {  	_ =	shalt  }
0x5b: {  	_ =	shalt  }
0x5c: {  	_ =	shalt  }
0x5d: {  	_ =	shalt  }
0x5e: {  	_ =	shalt  }
0x5f: {  	_ =	shalt  }
0x60: {  	_ =	shalt  }
0x61: {  	_ =	shalt  }
0x62: {  	_ =	shalt  }
0x63: {  	_ =	shalt  }
0x64: {  	_ =	shalt  }
0x65: {  	_ =	shalt  }
0x66: {  	_ =	shalt  }
0x67: {  	_ =	shalt  }
0x68: {  	_ =	shalt  }
0x69: {  	_ =	shalt  }
0x6a: {  	_ =	shalt  }
0x6b: {  	_ =	shalt  }
0x6c: {  	_ =	shalt  }
0x6d: {  	_ =	shalt  }
0x6e: {  	_ =	shalt  }
0x6f: {  	_ =	shalt  }
0x70: {  	_ =	shalt  }
0x71: {  	_ =	shalt  }
0x72: {  	_ =	shalt  }
0x73: {  	_ =	shalt  }
0x74: {  	_ =	shalt  }
0x75: {  	_ =	shalt  }
0x76: {  	_ =	shalt  }
0x77: {  	_ =	shalt  }
0x78: {  	_ =	shalt  }
0x79: {  	_ =	shalt  }
0x7a: {  	_ =	shalt  }
0x7b: {  	_ =	shalt  }
0x7c: {  	_ =	shalt  }
0x7d: {  	_ =	shalt  }
0x7e: {  	_ =	shalt  }
0x7f: {  	_ =	shalt  }
0x80: {  	_ =	shalt  }
0x81: {  	_ =	shalt  }
0x82: {  	_ =	shalt  }
0x83: {  	_ =	shalt  }
0x84: {  	_ =	shalt  }
0x85: {  	_ =	shalt  }
0x86: {  	_ =	shalt  }
0x87: {  	_ =	shalt  }
.Lfunc_end0:
.L_simem_size_0:
called_computation_lowered:
.L_overlay_start_0:
0x88: {  	s2 =	sld [smem:$0x3FD9]  }
0x89: {  	s3 =	sld [smem:$0x3FFE];
	_ =	sdelay $0x1  }
0x8a: {  	s1 =	srdreg.scid  }
0x8b: {  	s0 =	sand.u32 $0x1, s1  }
0x8c: {  	s17 =	sshll.u32 s0, $0xA;
	s2 =	sadd.s32 s3, s2  }
0x8d: {  	s2 =	sadd.s32 s2, s17  }
0x8e: {  	[smem:$0x3FC3] =	sst s2  }
0x8f: {  	_ = 	snop  }
0x90: {  	s2 =	sld [smem:$0x3FC5];
	(tm) =	ssettm $0x1  }
0x91: {  	s18 =	sld [smem:$0x3FFB];
	_ =	sdelay $0x3  }
0x92: {  	_ =	strace s18  }
0x93: {  	s3 =	sld [smem:$0x3FFC];
	_ =	sdelay $0x3  }
0x94: {  	_ =	strace s3  }
0x95: {  	s3 =	sld [smem:$0x3FFD];
	_ =	sdelay $0x3  }
0x96: {  	_ =	strace s3  }
0x97: {  	_ =	strace $0x8FFFFFFF  }
0x98: {  	s19 =	sld [smem:$0x3FDB];
	_ =	sdelay $0x1  }
0x99: {  	s4 =	simm.s32 $_scs_section_size  }
0x9a: {  	s5 =	simm.s32 $_size__tile_overlayer_lowered;
	s6 =	simm.s32 $_tile_overlayer_lowered  }
0x9b: {  	s22 =	simm.s32 $0x1BFF;
	s21 =	sshll.u32 s6, $0x1;
	s3 =	sadd.s32 s4, s19  }
0x9c: {  	s7 =	simm.s32 $0x0;
	s20 =	sshll.u32 s5, $0x1;
	s5 =	sadd.s32 s21, s3  }
0x9d: {  	[timem:s7], [sflag:s22] =	dma.local [hbm:s5], s20  }
0x9e: {  	_ =	swait.ge [sflag:s22], s20  }
0x9f: {  	s4 =	ssub.s32 $0x0, s20;
	[sflag:s22] =	ssyncset.done $0x0  }
0xa0: {  	[sflag:s22] =	ssyncadd.s32 s4;
	_ =	sdelay $0x1  }
0xa1: {  	s23 =	simm.s32 $0x1B8B  }
0xa2: {  	_ =	swait.ge [sflag:s23], $0x1  }
0xa3: {  	[sflag:s23] =	ssyncset.done $0x0  }
0xa4: {  	s25 =	simm.s32 $0x1B8E;
	s24 =	sld [smem:$0x3FFE];
	[sflag:s23] =	ssyncadd.s32 $0xFFFFFFFF  }
0xa5: {  	s26 =	simm.s32 $execute0_lowered;
	[smem:$0x3FD2] =	sst s25  }
0xa6: {  	s5 =	sshll.u32 s26, $0x1;
	_ =	strace $0x80000046;
	[dreg:$0x1] =	wrdreg $0xFFFFFFFF  }
0xa7: {  	s28 =	simm.s32 $_size_execute0_lowered;
	s3 =	sadd.s32 s3, s5;
	[dreg:$0x0] =	wrdreg $0x0  }
0xa8: {  	s5 =	sshll.u32 s28, $0x1;
	[dreg:$0x2] =	wrdreg s3  }
0xa9: {  	[dreg:$0x3] =	wrdreg s5  }
0xaa: {  	[dreg:$0x4] =	wrdreg $0xC0  }
0xab: {  	_ =	task [dreg:s7], $0x5FFFF  }
0xac: {  	[dreg:$0x1] =	wrdreg $0xFFFFFFFF  }
0xad: {  	[dreg:$0x0] =	wrdreg $0x60  }
0xae: {  	[dreg:$0x2] =	wrdreg s2  }
0xaf: {  	[dreg:$0x3] =	wrdreg s24  }
0xb0: {  	[dreg:$0x4] =	wrdreg $0x9  }
0xb1: {  	_ =	task.clear_ibuf [dreg:s7], $0x5FFFF;
	_ =	strace $0x90000046  }
0xb2: {  	s29 =	simm.s32 $0x9;
	_ =	strace $0x80000048  }
0xb3: {  	_ =	swait.ge [sflag:s29], $0x1  }
0xb4: {  	[sflag:s29] =	ssyncadd.s32 $0xFFFFFFFF  }
0xb5: {  	_ =	strace $0x90000048  }
0xb6: {  	_ =	sfence  }
0xb7: {  	s30 =	sld [smem:$0x0];
	_ =	sdelay $0x2  }
0xb8: {  	s31 =	sshll.u32 s1, $0xD;
	s1 =	sshrl.u32 s1, $0x2  }
0xb9: {  	s3 =	sand.u32 $0x4000, s31;
	s1 =	sadd.s32 s1, s30  }
0xba: {  	s0 =	sor.u32 s3, s0;
	s1 =	sshll.u32 s1, $0x11  }
0xbb: {  	s0 =	sor.u32 s1, s0  }
0xbc: {  	s0 =	sadd.s32 $0x8F2B, s0  }
0xbd: {  	[sflag:s0] =	ssyncadd.remote.s32 $0x1  }
0xbe: {  	_ =	sfence.sel $0xFFFF  }
0xbf: {  	[dreg:$0x0] =	wrdreg $0xFFFFFFFF;
	(pc) =	sbr.abs _section_cstart, $3  }
0xc0: {  	[dreg:$0x1] =	wrdreg $0xFFFFFFFF  }
0xc1: {  	_ =	task.clear_ibuf [dreg:s7], $0x2FFFF;
	_ =	strace $0x9FFFFFFF  }
0xc2: {  	(tm) =	ssettm $0x7FFFFFFF  }
0xc3: {  	_ =	shalt  }
tec
execute0_lowered:
.L_overlay_start_1:
0x0: {  	(tag) =	ssettag $0x1  }
0x1: {  	s0 =	srdreg.scid  }
0x2: {  	s12 =	sand.u32 $0x1, s0  }
0x3: {  	s0 =	stileid.u32;
	s1 =	sshll.u32 s12, $0x4  }
0x4: {  	s2 =	rddreg [dreg:$0x0];
	s13 =	sor.u32 s0, s1  }
0x5: {  	s14 =	rddreg [dreg:$0x1];
	s3 =	simm.s32 $0x0;
	s4 =	smul.u32 $0x30, s13  }
0x6: {  	[smem:$0x7FF] =	sst s3  }
0x7: {  	s1 =	rddreg [dreg:$0x2];
	s4 =	sadd.s32 s4, s14  }
0x8: {  	_ =	strace $0x80000047;
	s5 =	sadd.s32 $0xC00, s4;
	s4 =	simm.s32 $0x2  }
0x9: {  	[tilespmem:s3], [sflag:$0x2] =	stream.linear.gather [hbm4b:s5+s3], $0x180, $0x38;
	[tilespmem:$0xC180] =	vst v63  }
0xa: {  	_ =	swait.ge [sflag:s4], $0x180  }
0xb: {  	[sflag:s4] =	ssyncset.done $0x0  }
0xc: {  	s6 =	simm.s32 $0x80;
	s7 =	simm.s32 $0x180;
	[sflag:s4] =	ssyncadd.s32 $0xFFFFFE80  }
0xd: {  	[tilespmem:s7], [sflag:$0x1] =	stream.indirect.gather [hbm4b:s2+s6], $0x80, s3, s6, $0xb8;
	[tilespmem:$0xC180] =	vst v63  }
0xe: {  	s8 =	simm.s32 $0x4180  }
0xf: {  	[tilespmem:s8], [sflag:$0x1] =	stream.indirect.gather [hbm4b:s2+s6], $0x80, s6, s6, $0xb8;
	[tilespmem:$0xC180] =	vst v63  }
0x10: {  	s9 =	simm.s32 $0x100;
	s10 =	simm.s32 $0x8180;
	s11 =	simm.s32 $0x1  }
0x11: {  	[tilespmem:s10], [sflag:$0x1] =	stream.indirect.gather [hbm4b:s2+s6], $0x80, s9, s6, $0xb8;
	[tilespmem:$0xC180] =	vst v63  }
0x12: {  	_ =	swait.ge [sflag:s11], $0x4000  }
0x13: {  	[sflag:s11] =	ssyncset.done $0x0  }
0x14: {  	s12 =	ssub.s32 $0x2, s12;
	[sflag:s11] =	ssyncadd.s32 $0xFFFFC000  }
0x15: {  	s15 =	sshrl.u32 s12, $0x1;
	_ =	swait.ge [sflag:s11], $0x4000  }
0x16: {  	s30 =	ssub.s32 s12, s15;
	[sflag:s11] =	ssyncset.done $0x0  }
0x17: {  	s13 =	smul.u32 $0x1800, s13;
	s31 =	smax.u32 s30, $0x1;
	[sflag:s11] =	ssyncadd.s32 $0xFFFFC000  }
0x18: {  	p0 =	sne.s32 s31, $0x1;
	_ =	swait.ge [sflag:s11], $0x4000  }
.Ltmp0:
0x19: {  	s13 =	sadd.s32 s13, s14;
	[sflag:s11] =	ssyncset.done $0x0;
	(pc) =	sbr.rel @!p0 .LBB2_2-.Ltmp0, $4  }
0x1a: {  	s12 =	sadd.s32 $0x1200, s13;
	[sflag:s11] =	ssyncadd.s32 $0xFFFFC000  }
0x1b: {  	[hbm4b:s12+s3] =	stream.linear.scatter [tilespmem:s7], [sflag:$0x2], $0xC000, $0x38;
	[tilespmem:$0xC180] =	vst v63  }
0x1c: {  	_ =	swait.ge [sflag:s4], $0xC000  }
0x1d: {  	s13 =	sadd.s32 $0xFFFFFFFF, s31;
	[sflag:s4] =	ssyncset.done $0x0  }
.LBB2_1:
0x1e: {  	p0 =	sne.s32 s13, $0x1;
	s13 =	sadd.s32 $0xFFFFFFFF, s13;
	[sflag:s4] =	ssyncadd.s32 $0xFFFF4000  }
0x1f: {  	[tilespmem:s3], [sflag:$0x2] =	stream.linear.gather [hbm4b:s5+s3], $0x180, $0x38;
	[tilespmem:$0xC180] =	vst v63  }
0x20: {  	_ =	swait.ge [sflag:s4], $0x180  }
0x21: {  	[sflag:s4] =	ssyncset.done $0x0  }
0x22: {  	[sflag:s4] =	ssyncadd.s32 $0xFFFFFE80  }
0x23: {  	[tilespmem:s7], [sflag:$0x1] =	stream.indirect.gather [hbm4b:s2+s6], $0x80, s3, s6, $0xb8;
	[tilespmem:$0xC180] =	vst v63  }
0x24: {  	_ = 	snop  }
0x25: {  	[tilespmem:s8], [sflag:$0x1] =	stream.indirect.gather [hbm4b:s2+s6], $0x80, s6, s6, $0xb8;
	[tilespmem:$0xC180] =	vst v63  }
0x26: {  	_ = 	snop  }
0x27: {  	[tilespmem:s10], [sflag:$0x1] =	stream.indirect.gather [hbm4b:s2+s6], $0x80, s9, s6, $0xb8;
	[tilespmem:$0xC180] =	vst v63  }
0x28: {  	_ =	swait.ge [sflag:s11], $0x4000  }
0x29: {  	[sflag:s11] =	ssyncset.done $0x0  }
0x2a: {  	[sflag:s11] =	ssyncadd.s32 $0xFFFFC000  }
0x2b: {  	_ =	swait.ge [sflag:s11], $0x4000  }
0x2c: {  	[sflag:s11] =	ssyncset.done $0x0  }
0x2d: {  	[sflag:s11] =	ssyncadd.s32 $0xFFFFC000  }
0x2e: {  	_ =	swait.ge [sflag:s11], $0x4000  }
.Ltmp1:
0x2f: {  	[sflag:s11] =	ssyncset.done $0x0;
	(pc) =	sbr.rel @p0 .LBB2_1-.Ltmp1, $4  }
0x30: {  	[sflag:s11] =	ssyncadd.s32 $0xFFFFC000  }
0x31: {  	[hbm4b:s12+s3] =	stream.linear.scatter [tilespmem:s7], [sflag:$0x2], $0xC000, $0x38;
	[tilespmem:$0xC180] =	vst v63  }
0x32: {  	_ =	swait.ge [sflag:s4], $0xC000  }
0x33: {  	[sflag:s4] =	ssyncset.done $0x0  }
.LBB2_2:
0x34: {  	[sflag:s4] =	ssyncadd.s32 $0xFFFF4000  }
0x35: {  	_ =	sfence.sel $0x180000  }
0x36: {  	[bflag:$0x0] =	sbarrier.arrive $0xFFFF  }
0x37: {  	p0 =	sne.s32 s0, $0x0;
	_ =	strace $0x90000047  }
0x38: {  	s0 =	sadd.s32 @!p0 $0x100000, s1;
	[bflag:$0x2] =	sbarrier.arrive $0xFFFF  }
0x39: {  	[sflag:s0] =	ssyncadd.tile.s32 @!p0 $0x1;
	_ =	shalt  }
.Lfunc_end2:
_tile_overlayer_lowered:
.L_overlay_start_2:
0x3a: {  	(tag) =	ssettag $0x2  }
0x3b: {  	s0 =	rddreg [dreg:$0x0];
	s2 =	stileid.u32  }
0x3c: {  	s1 =	rddreg [dreg:$0x1];
	p0 =	sne.s32 s2, $0x0  }
0x3d: {  	s3 =	rddreg [dreg:$0x2];
	[bflag:$0x3] =	sbarrier.arrive $0xFFFF;
	s2 =	simm.s32 @!p0 $0x1C02  }
0x3e: {  	[timem:s3], [sflag:s2] =	dma.local @!p0 [hbm:s0], s1  }
0x3f: {  	s0 =	simm.s32 @!p0 $0x2  }
0x40: {  	_ =	swait.ge @!p0 [sflag:s0], s1  }
0x41: {  	s1 =	ssub.s32 @!p0 $0x0, s1;
	[sflag:s0] =	ssyncset.done @!p0 $0x0  }
0x42: {  	[sflag:s0] =	ssyncadd.s32 @!p0 s1  }
0x43: {  	[bflag:$0x3] =	sbarrier.arrive $0xFFFF  }
0x44: {  	_ =	shalt  }

// kernel: kernel.8.cloned.1.call-start
scs
__scs_entry_jumppad:
0x0: {  	(pc) =	sbr.rel $0x88, $3  }
0x1: {  	(tag) =	ssettag $0x0;
	lr =	simm.s32 $0x1  }
0x2: {  	[smem:$0x3F9C] =	sst lr;
	_ =	strace $0xD0000000  }
0x3: {  	_ = 	snop  }
0x4: {  	_ = 	snop  }
0x5: {  	_ = 	snop  }
0x6: {  	_ = 	snop  }
0x7: {  	_ = 	snop  }
__scs_overlays_trampoline_lowered:
0x8: {  	[smem:$0x3FAB] =	sst s0  }
0x9: {  	[smem:$0x3FAC] =	sst s1  }
0xa: {  	[smem:$0x3FAD] =	sst s2  }
0xb: {  	[smem:$0x3FAE] =	sst s3  }
0xc: {  	[smem:$0x3FAF] =	sst s4  }
0xd: {  	[smem:$0x3FB0] =	sst s5  }
0xe: {  	[smem:$0x3FB1] =	sst s6  }
0xf: {  	[smem:$0x3FB2] =	sst s7  }
0x10: {  	[smem:$0x3FB3] =	sst s8  }
0x11: {  	[smem:$0x3FB4] =	sst s9;
	s0 =	simm.s32 @!p0 $0x0  }
0x12: {  	s1 =	sld [smem:$0x3F9A];
	s0 =	simm.s32 @p0 $0x1  }
0x13: {  	[smem:$0x3FB5] =	sst s0;
	s0 =	simm.s32 @!p1 $0x0  }
0x14: {  	s2 =	sld [smem:$0x3F99];
	s0 =	simm.s32 @p1 $0x1  }
0x15: {  	[smem:$0x3FB6] =	sst s0;
	s0 =	simm.s32 @!p2 $0x0  }
0x16: {  	s3 =	sld [smem:$0x3FDB];
	s0 =	simm.s32 @p2 $0x1  }
0x17: {  	s4 =	simm.s32 $0x1BF5;
	[smem:$0x3FB8] =	sst s0  }
0x18: {  	s0 =	sld [smem:$0x3F9B];
	_ =	swait.ge [sflag:s4], $0x0  }
0x19: {  	s7 =	sld [smem:$0x3F9C]  }
0x1a: {  	s8 =	sadd.s32 $0xFFFFE003, lr  }
0x1b: {  	s9 =	sadd.s32 $0xFFFFFEF7, lr;
	s5 =	simm.s32 $0xFFFFFFFF;
	p2 =	slt.u32 s8, $0xFFFFF086  }
0x1c: {  	p1 =	slt.u32 s9, $0xF7A;
	s5 =	simm.s32 @!p2 $0x0  }
0x1d: {  	s5 =	simm.s32 @p1 $0x1;
	p0 =	seq.s32 s7, s2  }
0x1e: {  	s7 =	smul.u32 @!p0 $0xF7A, s2;
	p2 =	seq.s32 @!p0 s5, $0x0  }
0x1f: {  	s9 =	smul.u32 $0xF7A, s1;
	s8 =	simm.s32 @!p0 $0x1BF5;
	p2 =	por !p2, p0  }
0x20: {  	[sflag:s8] =	ssyncset.s32 @!p0 $0xFFFFF086;
	s6 =	sadd.s32 @!p0 s3, s7;
	s7 =	simm.s32 @!p0 $0x108  }
0x21: {  	s3 =	sadd.s32 s3, s9;
	s6 =	sadd.s32 @!p0 $0x88, s6;
	s7 =	simm.s32 @p2 $0x1082  }
0x22: {  	[simem:s7], [sflag:s8] =	dma.local @!p0 [hbm:s6], $0xF7A  }
0x23: {  	s9 =	sor.u32 $0xD0000000, s2;
	s6 =	simm.s32 $0x108;
	_ =	swait.ge @!p0 [sflag:s8], $0x0  }
0x24: {  	s3 =	sadd.s32 $0x88, s3;
	s6 =	simm.s32 @!p1 $0x1082;
	[sflag:s4] =	ssyncset.s32 $0xFFFFF086  }
0x25: {  	[simem:s6], [sflag:s4] =	dma.local [hbm:s3], $0xF7A  }
0x26: {  	[smem:$0x3F9C] =	sst s1;
	(tag) =	ssettag s2;
	_ =	strace s9  }
0x27: {  	s1 =	sld [smem:$0x3FAC]  }
0x28: {  	s2 =	sld [smem:$0x3FAD]  }
0x29: {  	s4 =	sld [smem:$0x3FAF]  }
0x2a: {  	p0 =	seq.s32 s5, $0x0;
	s5 =	sld [smem:$0x3FB0]  }
0x2b: {  	s6 =	sld [smem:$0x3FB1]  }
0x2c: {  	s7 =	sld [smem:$0x3FB2]  }
0x2d: {  	s3 =	simm.s32 $0x108;
	s8 =	sld [smem:$0x3FB3]  }
0x2e: {  	s3 =	simm.s32 @!p0 $0x1082;
	s9 =	sld [smem:$0x3FB4]  }
0x2f: {  	lr =	sadd.s32 s0, s3;
	s0 =	sld [smem:$0x3FAB]  }
0x30: {  	s3 =	sld [smem:$0x3FAE]  }
0x31: {  	[smem:$0x3FB7] =	sst s10  }
0x32: {  	s10 =	sld [smem:$0x3FB5];
	_ =	sdelay $0x3  }
0x33: {  	p0 =	seq.s32 s10, $0x1;
	s10 =	sld [smem:$0x3FB7];
	_ =	sdelay $0x3  }
0x34: {  	[smem:$0x3FB7] =	sst s10  }
0x35: {  	s10 =	sld [smem:$0x3FB6];
	_ =	sdelay $0x3  }
0x36: {  	p1 =	seq.s32 s10, $0x1;
	s10 =	sld [smem:$0x3FB7];
	_ =	sdelay $0x3  }
0x37: {  	[smem:$0x3FB7] =	sst s10  }
0x38: {  	s10 =	sld [smem:$0x3FB8]  }
0x39: {  	_ = 	snop;
	(pc) =	sbr.ind lr, $3  }
0x3a: {  	_ = 	snop  }
0x3b: {  	_ = 	snop  }
0x3c: {  	p2 =	seq.s32 s10, $0x1;
	s10 =	sld [smem:$0x3FB7]  }
0x3d: {  	_ =	shalt  }
0x3e: {  	_ =	shalt  }
0x3f: {  	_ =	shalt  }
0x40: {  	_ =	shalt  }
0x41: {  	_ =	shalt  }
0x42: {  	_ =	shalt  }
0x43: {  	_ =	shalt  }
0x44: {  	_ =	shalt  }
0x45: {  	_ =	shalt  }
0x46: {  	_ =	shalt  }
0x47: {  	_ =	shalt  }
0x48: {  	_ =	shalt  }
0x49: {  	_ =	shalt  }
0x4a: {  	_ =	shalt  }
0x4b: {  	_ =	shalt  }
0x4c: {  	_ =	shalt  }
0x4d: {  	_ =	shalt  }
0x4e: {  	_ =	shalt  }
0x4f: {  	_ =	shalt  }
0x50: {  	_ =	shalt  }
0x51: {  	_ =	shalt  }
0x52: {  	_ =	shalt  }
0x53: {  	_ =	shalt  }
0x54: {  	_ =	shalt  }
0x55: {  	_ =	shalt  }
0x56: {  	_ =	shalt  }
0x57: {  	_ =	shalt  }
0x58: {  	_ =	shalt  }
0x59: {  	_ =	shalt  }
0x5a: {  	_ =	shalt  }
0x5b: {  	_ =	shalt  }
0x5c: {  	_ =	shalt  }
0x5d: {  	_ =	shalt  }
0x5e: {  	_ =	shalt  }
0x5f: {  	_ =	shalt  }
0x60: {  	_ =	shalt  }
0x61: {  	_ =	shalt  }
0x62: {  	_ =	shalt  }
0x63: {  	_ =	shalt  }
0x64: {  	_ =	shalt  }
0x65: {  	_ =	shalt  }
0x66: {  	_ =	shalt  }
0x67: {  	_ =	shalt  }
0x68: {  	_ =	shalt  }
0x69: {  	_ =	shalt  }
0x6a: {  	_ =	shalt  }
0x6b: {  	_ =	shalt  }
0x6c: {  	_ =	shalt  }
0x6d: {  	_ =	shalt  }
0x6e: {  	_ =	shalt  }
0x6f: {  	_ =	shalt  }
0x70: {  	_ =	shalt  }
0x71: {  	_ =	shalt  }
0x72: {  	_ =	shalt  }
0x73: {  	_ =	shalt  }
0x74: {  	_ =	shalt  }
0x75: {  	_ =	shalt  }
0x76: {  	_ =	shalt  }
0x77: {  	_ =	shalt  }
0x78: {  	_ =	shalt  }
0x79: {  	_ =	shalt  }
0x7a: {  	_ =	shalt  }
0x7b: {  	_ =	shalt  }
0x7c: {  	_ =	shalt  }
0x7d: {  	_ =	shalt  }
0x7e: {  	_ =	shalt  }
0x7f: {  	_ =	shalt  }
0x80: {  	_ =	shalt  }
0x81: {  	_ =	shalt  }
0x82: {  	_ =	shalt  }
0x83: {  	_ =	shalt  }
0x84: {  	_ =	shalt  }
0x85: {  	_ =	shalt  }
0x86: {  	_ =	shalt  }
0x87: {  	_ =	shalt  }
.Lfunc_end0:
.L_simem_size_0:
called_computation.1_lowered:
.L_overlay_start_0:
0x88: {  	s2 =	sld [smem:$0x3FD9]  }
0x89: {  	s3 =	sld [smem:$0x3FFE];
	_ =	sdelay $0x1  }
0x8a: {  	s1 =	srdreg.scid  }
0x8b: {  	s0 =	sand.u32 $0x1, s1  }
0x8c: {  	s16 =	sshll.u32 s0, $0xA;
	s2 =	sadd.s32 s3, s2  }
0x8d: {  	s2 =	sadd.s32 s2, s16  }
0x8e: {  	[smem:$0x3FC3] =	sst s2  }
0x8f: {  	_ = 	snop  }
0x90: {  	(tm) =	ssettm $0x1  }
0x91: {  	s17 =	sld [smem:$0x3FFB];
	_ =	sdelay $0x3  }
0x92: {  	_ =	strace s17  }
0x93: {  	s2 =	sld [smem:$0x3FFC];
	_ =	sdelay $0x3  }
0x94: {  	_ =	strace s2  }
0x95: {  	s2 =	sld [smem:$0x3FFD];
	_ =	sdelay $0x3  }
0x96: {  	_ =	strace s2  }
0x97: {  	_ =	strace $0x8FFFFFFF  }
0x98: {  	s18 =	sld [smem:$0x3FDB];
	_ =	sdelay $0x1  }
0x99: {  	s19 =	simm.s32 $_scs_section_size  }
0x9a: {  	s4 =	simm.s32 $_size__tile_overlayer_lowered;
	s5 =	simm.s32 $_tile_overlayer_lowered  }
0x9b: {  	s22 =	simm.s32 $0x1BFF;
	s21 =	sshll.u32 s5, $0x1;
	s2 =	sadd.s32 s19, s18  }
0x9c: {  	s6 =	simm.s32 $0x0;
	s20 =	sshll.u32 s4, $0x1;
	s4 =	sadd.s32 s21, s2  }
0x9d: {  	[timem:s6], [sflag:s22] =	dma.local [hbm:s4], s20  }
0x9e: {  	_ =	swait.ge [sflag:s22], s20  }
0x9f: {  	s3 =	ssub.s32 $0x0, s20;
	[sflag:s22] =	ssyncset.done $0x0  }
0xa0: {  	[sflag:s22] =	ssyncadd.s32 s3;
	_ =	sdelay $0x1  }
0xa1: {  	s23 =	simm.s32 $0x1B8B  }
0xa2: {  	_ =	swait.ge [sflag:s23], $0x1  }
0xa3: {  	[sflag:s23] =	ssyncset.done $0x0  }
0xa4: {  	s25 =	simm.s32 $0x1B8E;
	s24 =	sld [smem:$0x3FFE];
	[sflag:s23] =	ssyncadd.s32 $0xFFFFFFFF  }
0xa5: {  	s26 =	simm.s32 $execute0_lowered;
	[smem:$0x3FD2] =	sst s25  }
0xa6: {  	s4 =	sshll.u32 s26, $0x1;
	_ =	strace $0x80000049;
	[dreg:$0x1] =	wrdreg $0xFFFFFFFF  }
0xa7: {  	s28 =	simm.s32 $_size_execute0_lowered;
	s2 =	sadd.s32 s2, s4;
	[dreg:$0x0] =	wrdreg $0x0  }
0xa8: {  	s4 =	sshll.u32 s28, $0x1;
	[dreg:$0x2] =	wrdreg s2  }
0xa9: {  	[dreg:$0x3] =	wrdreg s4  }
0xaa: {  	[dreg:$0x4] =	wrdreg $0xC0  }
0xab: {  	_ =	task [dreg:s6], $0x5FFFF  }
0xac: {  	[dreg:$0x1] =	wrdreg $0xFFFFFFFF  }
0xad: {  	[dreg:$0x0] =	wrdreg $0x60  }
0xae: {  	[dreg:$0x2] =	wrdreg s24  }
0xaf: {  	[dreg:$0x3] =	wrdreg $0x100000  }
0xb0: {  	[dreg:$0x4] =	wrdreg $0x9  }
0xb1: {  	_ =	task.clear_ibuf [dreg:s6], $0x5FFFF;
	_ =	strace $0x90000049  }
0xb2: {  	s29 =	simm.s32 $0x9;
	_ =	strace $0x8000004B  }
0xb3: {  	_ =	swait.ge [sflag:s29], $0x1  }
0xb4: {  	[sflag:s29] =	ssyncadd.s32 $0xFFFFFFFF  }
0xb5: {  	_ =	strace $0x9000004B  }
0xb6: {  	_ =	sfence  }
0xb7: {  	s30 =	sld [smem:$0x0];
	_ =	sdelay $0x2  }
0xb8: {  	s31 =	sshll.u32 s1, $0xD;
	s1 =	sshrl.u32 s1, $0x2  }
0xb9: {  	s3 =	sand.u32 $0x4000, s31;
	s1 =	sadd.s32 s1, s30  }
0xba: {  	s0 =	sor.u32 s3, s0;
	s1 =	sshll.u32 s1, $0x11  }
0xbb: {  	s0 =	sor.u32 s1, s0  }
0xbc: {  	s0 =	sadd.s32 $0x8F2B, s0  }
0xbd: {  	[sflag:s0] =	ssyncadd.remote.s32 $0x1  }
0xbe: {  	_ =	sfence.sel $0xFFFF  }
0xbf: {  	[dreg:$0x0] =	wrdreg $0xFFFFFFFF;
	(pc) =	sbr.abs _section_cstart, $3  }
0xc0: {  	[dreg:$0x1] =	wrdreg $0xFFFFFFFF  }
0xc1: {  	_ =	task.clear_ibuf [dreg:s6], $0x2FFFF;
	_ =	strace $0x9FFFFFFF  }
0xc2: {  	(tm) =	ssettm $0x7FFFFFFF  }
0xc3: {  	_ =	shalt  }
tec
execute0_lowered:
.L_overlay_start_1:
0x0: {  	(tag) =	ssettag $0x1  }
0x1: {  	s0 =	rddreg [dreg:$0x0]  }
0x2: {  	s1 =	rddreg [dreg:$0x1];
	s2 =	srdreg.scid  }
0x3: {  	s3 =	simm.s32 $0x0;
	s13 =	stileid.u32;
	s16 =	simm.s32 $0x4000  }
0x4: {  	s18 =	simm.s32 $0x1;
	s19 =	simm.s32 $0x80;
	s6 =	smul.u32 $0x140, s13  }
0x5: {  	s20 =	simm.s32 $0x8000;
	s21 =	simm.s32 $0xC000;
	s8 =	smul.u32 $0x38000, s13  }
0x6: {  	s24 =	simm.s32 $0x4;
	s2 =	sand.u32 $0x1, s2;
	s12 =	smul.u32 $0xA00, s13  }
0x7: {  	[smem:$0x7FF] =	sst s3;
	s4 =	sadd.s32 $0x1200, s0;
	s14 =	smul.u32 $0x28000, s13  }
0x8: {  	s5 =	sadd.s32 $0x3B200, s0;
	s17 =	smul.u32 $0x1400, s2;
	s2 =	ssub.s32 $0x2, s2  }
0x9: {  	s13 =	smul.u32 $0x5000, s13;
	_ =	strace $0x8000004A;
	s31 =	sshrl.u32 s2, $0x1  }
0xa: {  	s8 =	sshrl.u32 s8, $0x2;
	s11 =	sadd.s32 s5, s12;
	s14 =	sshrl.u32 s14, $0x2  }
0xb: {  	s7 =	sadd.s32 s6, s17;
	s6 =	sadd.s32 $0x31200, s0;
	s2 =	ssub.s32 s2, s31  }
.Ltmp0:
0xc: {  	s22 =	sadd.s32 $0x1400, s17;
	s23 =	sadd.s32 s14, s1;
	(pc) =	sbr.rel .LBB2_1-.Ltmp0, $4  }
0xd: {  	s7 =	sshll.u32 s7, $0x4;
	s12 =	sadd.s32 s6, s12;
	s15 =	smax.u32 s2, $0x1  }
0xe: {  	v1 =	vmov s22;
	s22 =	simm.s32 $0x2;
	s0 =	sadd.s32 s7, s0;
	s7 =	sadd.s32 s8, s1  }
0xf: {  	s23 =	sshrl.u32 s23, $0x3;
	s8 =	sadd.s32 $0x4000, s7;
	s9 =	sadd.s32 $0x8000, s7  }
0x10: {  	v2 =	vimm.f32 $0.0e+00;
	v0 =	vmov s17;
	s10 =	sadd.s32 $0xC000, s7;
	s14 =	sadd.s32 $0x45200, s0;
	[dreg:$0x3] =	wrdreg s8  }
.LBB2_8:
0x11: {  	s0 =	stileid.u32;
	s3 =	sadd.s32 $0x1, s3  }
0x12: {  	s0 =	sshll.u32 s0, $0x6;
	p0 =	sne.s32 s3, s15  }
.Ltmp1:
0x13: {  	[bflag:$0x0] =	sbarrier.arrive $0xFFFF;
	s0 =	sor.u32 $0x1C04, s0;
	(pc) =	sbr.rel @!p0 .LBB2_9-.Ltmp1, $4  }
0x14: {  	[hbm:s14], [sflag:s0] =	dma.local [spmem:s23], $0x1400  }
0x15: {  	_ =	swait.ge [sflag:s24], $0x1400  }
0x16: {  	[sflag:s24] =	ssyncset.done $0x0  }
0x17: {  	[sflag:s24] =	ssyncadd.s32 $0xFFFFEC00  }
.LBB2_1:
0x18: {  	s0 =	simm.s32 $0x0;
	s2 =	simm.s32 $0x200  }
.LBB2_2:
0x19: {  	p0 =	sne.s32 s2, $0xFE00;
	[tilespmem:s0+$0x4070] =	vst v2  }
0x1a: {  	[tilespmem:s0+$0x4000] =	vst v2  }
0x1b: {  	[tilespmem:s0+$0x4010] =	vst v2  }
.Ltmp2:
0x1c: {  	[tilespmem:s0+$0x4020] =	vst v2;
	(pc) =	sbr.rel @p0 .LBB2_2-.Ltmp2, $4  }
0x1d: {  	[tilespmem:s0+$0x4030] =	vst v2  }
0x1e: {  	[tilespmem:s0+$0x4040] =	vst v2  }
0x1f: {  	[tilespmem:s0+$0x4050] =	vst v2  }
0x20: {  	[tilespmem:s0+$0x4060] =	vst v2;
	s0 =	sshra.s32 s2, $0x2;
	s2 =	sadd.s32 $0x200, s2  }
0x21: {  	[tilespmem:s0+$0x4070] =	vst v2  }
0x22: {  	[tilespmem:s0+$0x4000] =	vst v2  }
0x23: {  	[tilespmem:s0+$0x4010] =	vst v2  }
0x24: {  	[tilespmem:s0+$0x4020] =	vst v2  }
0x25: {  	[tilespmem:s0+$0x4030] =	vst v2  }
0x26: {  	[tilespmem:s0+$0x4040] =	vst v2  }
0x27: {  	[tilespmem:s0+$0x4050] =	vst v2  }
0x28: {  	[tilespmem:s0+$0x4060] =	vst v2;
	s0 =	simm.s32 $0x4  }
0x29: {  	[spmem:s7] =	stream.linear.scatter [tilespmem:s16], [sflag:$0x4], $0x4000, $0x38;
	[tilespmem:$0x1E000] =	vst v63  }
0x2a: {  	_ =	swait.ge [sflag:s0], $0x4000  }
0x2b: {  	[sflag:s0] =	ssyncset.done $0x0  }
0x2c: {  	s2 =	rddreg [dreg:$0x3];
	[sflag:s0] =	ssyncadd.s32 $0xFFFFC000  }
0x2d: {  	[spmem:s2] =	stream.linear.scatter [tilespmem:s16], [sflag:$0x4], $0x4000, $0x38;
	[tilespmem:$0x1E000] =	vst v63  }
0x2e: {  	_ =	swait.ge [sflag:s0], $0x4000  }
0x2f: {  	[sflag:s0] =	ssyncset.done $0x0  }
0x30: {  	[sflag:s0] =	ssyncadd.s32 $0xFFFFC000  }
0x31: {  	[spmem:s9] =	stream.linear.scatter [tilespmem:s16], [sflag:$0x4], $0x4000, $0x38;
	[tilespmem:$0x1E000] =	vst v63  }
0x32: {  	_ =	swait.ge [sflag:s0], $0x4000  }
0x33: {  	[sflag:s0] =	ssyncset.done $0x0  }
0x34: {  	[sflag:s0] =	ssyncadd.s32 $0xFFFFC000  }
0x35: {  	[spmem:s10] =	stream.linear.scatter [tilespmem:s16], [sflag:$0x4], $0x2000, $0x38;
	[tilespmem:$0x1E000] =	vst v63  }
0x36: {  	_ =	swait.ge [sflag:s0], $0x2000  }
0x37: {  	[sflag:s0] =	ssyncset.done $0x0  }
0x38: {  	[sflag:s0] =	ssyncadd.s32 $0xFFFFE000  }
0x39: {  	s25 =	simm.s32 $0x0;
	[bflag:$0x0] =	sbarrier.arrive $0xFFFF  }
0x3a: {  	[tilespmem:s25], [sflag:$0x4] =	stream.linear.gather [hbm4b:s11+s25], $0x1000, $0x38;
	[tilespmem:$0x1E000] =	vst v63  }
0x3b: {  	_ =	swait.ge [sflag:s0], $0x1000  }
0x3c: {  	[sflag:s0] =	ssyncset.done $0x0  }
0x3d: {  	s31 =	simm.s32 $0x2000;
	p0 =	por $0x0, $0x0;
	[sflag:s0] =	ssyncadd.s32 $0xFFFFF000  }
0x3e: {  	[tilespmem:s31], [sflag:$0x4] =	stream.linear.gather [hbm4b:s12+s25], $0x1000, $0x38;
	[tilespmem:$0x1E000] =	vst v63  }
.LBB2_4:
0x3f: {  	s2 =	smov.u32 s25  }
0x40: {  	s25 =	sadd.s32 $0x1, s25;
	p1 =	seq.s32 s2, $0x4  }
0x41: {  	_ =	swait.ge [sflag:s0], $0x1000;
	s17 =	sshll.u32 @!p1 s25, $0xC  }
0x42: {  	[sflag:s0] =	ssyncset.done $0x0;
	s26 =	sadd.s32 @!p1 s13, s17  }
0x43: {  	[sflag:s0] =	ssyncadd.s32 $0xFFFFF000;
	s0 =	sshrl.u32 @!p1 s26, $0x3  }
0x44: {  	s28 =	simm.s32 @!p1 $0x0;
	s17 =	sand.u32 @!p1 $0x1000, s17;
	s26 =	sadd.s32 @!p1 s5, s0  }
0x45: {  	[tilespmem:s17], [sflag:$0x3] =	stream.linear.gather @!p1 [hbm4b:s26+s28], $0x1000, $0x38;
	[tilespmem:$0x1E000] =	vst v63  }
0x46: {  	s0 =	sadd.s32 @!p1 s6, s0;
	s17 =	sor.u32 @!p1 $0x2000, s17  }
0x47: {  	[tilespmem:s17], [sflag:$0x3] =	stream.linear.gather @!p1 [hbm4b:s0+s28], $0x1000, $0x38;
	[tilespmem:$0x1E000] =	vst v63  }
0x48: {  	s17 =	sshll.u32 s2, $0xC;
	s2 =	simm.s32 $0x1  }
0x49: {  	s0 =	sand.u32 $0x1000, s17;
	s2 =	simm.s32 @!p0 $0x0  }
0x4a: {  	[tilespmem:s16], [sflag:$0x1] =	stream.indirect.gather [hbm4b:s4+s19], $0x80, s0, s19, $0xb8;
	[tilespmem:$0x1E000] =	vst v63  }
0x4b: {  	s31 =	simm.s32 $0x1;
	s2 =	sshll.u32 s2, $0xC  }
0x4c: {  	s29 =	simm.s32 $0x0;
	s26 =	sor.u32 $0x80, s0;
	s30 =	sor.u32 $0x2000, s2  }
0x4d: {  	[tilespmem:s20], [sflag:$0x1] =	stream.indirect.gather [hbm4b:s4+s19], $0x80, s26, s19, $0xb8;
	[tilespmem:$0x1E000] =	vst v63  }
0x4e: {  	s0 =	sor.u32 $0x100, s0;
	s26 =	sor.u32 $0x180, s2;
	s28 =	smov.u32 s30  }
0x4f: {  	[tilespmem:s21], [sflag:$0x1] =	stream.indirect.gather [hbm4b:s4+s19], $0x80, s0, s19, $0xb8;
	[tilespmem:$0x1E000] =	vst v63  }
.LBB2_5:
0x50: {  	_ =	swait.ge [sflag:s18], $0x4000;
	s30 =	sadd.s32 $0x80, s30  }
0x51: {  	s2 =	smov.u32 s31;
	s31 =	sadd.s32 $0x1, s31;
	s0 =	smov.u32 s26  }
0x52: {  	p2 =	sne.s32 s31, $0x20;
	[sflag:s18] =	ssyncset.done $0x0  }
0x53: {  	[sflag:s18] =	ssyncadd.s32 $0xFFFFC000  }
0x54: {  	v3 =	vld [tilespmem:s28+$0x10]  }
0x55: {  	v4 =	vld [tilespmem:s28+$0x30]  }
0x56: {  	s17 =	smul.u32 $0xAB, s29;
	v5 =	vld [tilespmem:s28+$0x20]  }
0x57: {  	v6 =	vld [tilespmem:s28+$0x60]  }
0x58: {  	s17 =	sshrl.u32 s17, $0x9;
	v7 =	vld [tilespmem:s28+$0x50]  }
0x59: {  	s17 =	sand.u32 $0x7F, s17;
	vm2 =	vge.s32 v3, v0;
	v8 =	vsub.s32 v3, v0  }
0x5a: {  	s17 =	smul.u32 $0x3, s17;
	v10 =	vand.u32 $0x7FF, v3;
	v9 =	vld [tilespmem:s28+$0x0];
	vm0 =	vge.s32 v4, v0;
	v11 =	vsub.s32 v4, v0  }
0x5b: {  	vm3 =	vlt.s32 v4, v1;
	v4 =	vand.u32 $0x7FF, v4;
	v12 =	vand.u32 $0x7FF, v5  }
0x5c: {  	s17 =	ssub.s32 s29, s17;
	vm4 =	vlt.s32 v3, v1;
	v3 =	vadd.s32 $0x1400, v4;
	vm1 =	vge.s32 v6, v0  }
0x5d: {  	s17 =	sand.u32 $0xFF, s17;
	v4 =	vadd.s32 $0x1400, v10;
	v10 =	vsub.s32 v5, v0;
	v13 =	vsub.s32 v7, v0  }
0x5e: {  	s17 =	sshll.u32 s17, $0xE;
	vm5 =	vge.s32 v5, v0;
	vm6 =	vlt.s32 v5, v1;
	vm3 =	vmand vm0, vm3  }
0x5f: {  	p3 =	sgt.u32 s29, $0x1C;
	s29 =	smov.u32 s2;
	s17 =	sadd.s32 $0x4000, s17;
	v5 =	vand.u32 $0x7FF, v7;
	vm0 =	vge.s32 v9, v0;
	vm7 =	vlt.s32 v9, v1  }
0x60: {  	s2 =	simm.s32 @!p3 $0x2;
	v15 =	vsub.s32 v6, v0;
	v14 =	vand.u32 $0x7FF, v9;
	vm0 =	vmand vm0, vm7  }
0x61: {  	vm2 =	vmand vm2, vm4;
	vm4 =	vmand vm5, vm6;
	v12 =	vadd.s32 $0x1400, v12;
	v16 =	vld [tilespmem:s28+$0x70]  }
0x62: {  	v4 =	vsel vm2, v8, v4;
	v8 =	vsel vm4, v10, v12;
	v12 =	vand.u32 $0x7FF, v6;
	v10 =	vld [tilespmem:s28+$0x40]  }
0x63: {  	vm2 =	vlt.s32 v6, v1;
	v5 =	vadd.s32 $0x1400, v5;
	v14 =	vadd.s32 $0x1400, v14;
	[tilespmem:s28+$0x20] =	vst v8  }
0x64: {  	vm1 =	vmand vm1, vm2;
	v6 =	vsub.s32 v9, v0;
	[tilespmem:s28+$0x10] =	vst v4;
	v4 =	vadd.s32 $0x1400, v12  }
0x65: {  	v3 =	vsel vm3, v11, v3;
	vm2 =	vge.s32 v7, v0;
	v4 =	vsel vm1, v15, v4  }
0x66: {  	vm1 =	vlt.s32 v7, v1;
	[tilespmem:s28+$0x30] =	vst v3;
	vm3 =	vlt.s32 v16, v1;
	v3 =	vand.u32 $0x7FF, v16  }
0x67: {  	vm1 =	vmand vm2, vm1;
	vm4 =	vge.s32 v10, v0;
	[tilespmem:s28+$0x60] =	vst v4;
	v3 =	vadd.s32 $0x1400, v3  }
0x68: {  	vm2 =	vlt.s32 v10, v1;
	v4 =	vand.u32 $0x7FF, v10;
	v5 =	vsel vm1, v13, v5  }
0x69: {  	v7 =	vsub.s32 v10, v0;
	vm1 =	vmand vm4, vm2;
	v4 =	vadd.s32 $0x1400, v4;
	[tilespmem:s28+$0x50] =	vst v5  }
0x6a: {  	v5 =	vsel vm0, v6, v14;
	v4 =	vsel vm1, v7, v4;
	vm0 =	vge.s32 v16, v0  }
0x6b: {  	vm0 =	vmand vm0, vm3;
	[tilespmem:s28+$0x40] =	vst v4;
	v4 =	vsub.s32 v16, v0  }
0x6c: {  	[tilespmem:s28+$0x0] =	vst v5;
	v3 =	vsel vm0, v4, v3  }
0x6d: {  	[tilespmem:s28+$0x70] =	vst v3  }
0x6e: {  	[spmem:s1] =	stream.indirect.scatter.add.f32 [tilespmem:s17], [sflag:$0x2], $0x80, s28, s19, $0xb8;
	[tilespmem:$0x1E000] =	vst v63  }
.Ltmp3:
0x6f: {  	_ = 	snop;
	(pc) =	sbr.rel @p2 .LBB2_5-.Ltmp3, $4  }
0x70: {  	s28 =	smov.u32 s30;
	_ =	swait.ge @!p3 [sflag:s2], $0x4000  }
0x71: {  	s26 =	sadd.s32 $0x80, s26;
	s8 =	simm.s32 @!p3 $0x80;
	[sflag:s2] =	ssyncset.done @!p3 $0x0  }
0x72: {  	[sflag:s2] =	ssyncadd.s32 @!p3 $0xFFFFC000  }
0x73: {  	[tilespmem:s17], [sflag:$0x1] =	stream.indirect.gather @!p3 [hbm4b:s4+s8], $0x80, s0, s8, $0xb8;
	[tilespmem:$0x1E000] =	vst v63  }
0x74: {  	_ =	swait.ge [sflag:s18], $0x4000  }
0x75: {  	[sflag:s18] =	ssyncset.done $0x0  }
0x76: {  	[sflag:s18] =	ssyncadd.s32 $0xFFFFC000  }
0x77: {  	v3 =	vld [tilespmem:s28+$0x10]  }
0x78: {  	v4 =	vld [tilespmem:s28+$0x30]  }
0x79: {  	v5 =	vld [tilespmem:s28+$0x20]  }
0x7a: {  	v6 =	vld [tilespmem:s28+$0x60]  }
0x7b: {  	v7 =	vld [tilespmem:s28+$0x50]  }
0x7c: {  	v9 =	vld [tilespmem:s28+$0x0];
	vm1 =	vge.s32 v3, v0  }
0x7d: {  	v8 =	vsub.s32 v3, v0;
	v10 =	vand.u32 $0x7FF, v3;
	vm0 =	vge.s32 v4, v0  }
0x7e: {  	v11 =	vsub.s32 v4, v0;
	v12 =	vand.u32 $0x7FF, v5;
	v13 =	vand.u32 $0x7FF, v4  }
0x7f: {  	v15 =	vld [tilespmem:s28+$0x70];
	vm2 =	vlt.s32 v4, v1;
	vm3 =	vlt.s32 v3, v1;
	vm4 =	vge.s32 v6, v0  }
0x80: {  	v56 =	vld [tilespmem:s28+$0x40];
	v52 =	vsub.s32 v5, v0;
	v53 =	vsub.s32 v7, v0;
	vm5 =	vge.s32 v5, v0  }
0x81: {  	vm6 =	vlt.s32 v5, v1;
	vm15 =	vge.s32 v9, v0;
	vm7 =	vlt.s32 v9, v1  }
0x82: {  	v54 =	vand.u32 $0x7FF, v7;
	v14 =	vand.u32 $0x7FF, v9;
	v16 =	vsub.s32 v6, v0  }
0x83: {  	v57 =	vand.u32 $0x7FF, v6;
	v58 =	vsub.s32 v9, v0;
	vm8 =	vge.s32 v7, v0  }
0x84: {  	vm9 =	vlt.s32 v7, v1;
	vm10 =	vlt.s32 v15, v1;
	v61 =	vand.u32 $0x7FF, v15  }
0x85: {  	vm11 =	vge.s32 v56, v0;
	vm12 =	vlt.s32 v56, v1;
	v62 =	vsub.s32 v56, v0  }
0x86: {  	vm14 =	vge.s32 v15, v0;
	v3 =	vadd.s32 $0x1400, v13;
	v51 =	vadd.s32 $0x1400, v10  }
0x87: {  	s0 =	smul.u32 $0xAB, s29;
	vm2 =	vmand vm0, vm2;
	vm6 =	vmand vm5, vm6;
	v12 =	vadd.s32 $0x1400, v12  }
0x88: {  	vm0 =	vmand vm15, vm7;
	vm1 =	vmand vm1, vm3;
	v55 =	vsel vm6, v52, v12  }
0x89: {  	s0 =	sshrl.u32 s0, $0x9;
	v14 =	vadd.s32 $0x1400, v14;
	vm7 =	vlt.s32 v6, v1;
	v4 =	vsel vm1, v8, v51;
	[tilespmem:s28+$0x20] =	vst v55  }
0x8a: {  	s0 =	sand.u32 $0x7F, s0;
	v5 =	vadd.s32 $0x1400, v54;
	v59 =	vadd.s32 $0x1400, v57;
	v3 =	vsel vm2, v11, v3;
	[tilespmem:s28+$0x10] =	vst v4  }
0x8b: {  	s0 =	smul.u32 $0x3, s0;
	vm1 =	vmand vm4, vm7;
	v63 =	vsel vm0, v58, v14;
	[tilespmem:s28+$0x30] =	vst v3;
	v3 =	vand.u32 $0x7FF, v56  }
0x8c: {  	vm13 =	vmand vm11, vm12;
	v60 =	vsel vm1, v16, v59;
	[tilespmem:s28+$0x0] =	vst v63;
	v3 =	vadd.s32 $0x1400, v3  }
0x8d: {  	s0 =	ssub.s32 s29, s0;
	vm15 =	vmand vm14, vm10;
	vm1 =	vmand vm8, vm9;
	[tilespmem:s28+$0x60] =	vst v60;
	v3 =	vsel vm13, v62, v3  }
0x8e: {  	s0 =	sand.u32 $0xFF, s0;
	v4 =	vadd.s32 $0x1400, v61;
	v5 =	vsel vm1, v53, v5;
	[tilespmem:s28+$0x40] =	vst v3;
	v3 =	vsub.s32 v15, v0  }
0x8f: {  	p2 =	sgt.u32 s29, $0x1C;
	s0 =	sshll.u32 s0, $0xE;
	[tilespmem:s28+$0x50] =	vst v5;
	v3 =	vsel vm15, v3, v4  }
0x90: {  	s2 =	simm.s32 @!p2 $0x2;
	s0 =	sadd.s32 $0x4000, s0;
	[tilespmem:s28+$0x70] =	vst v3  }
0x91: {  	[spmem:s1] =	stream.indirect.scatter.add.f32 [tilespmem:s0], [sflag:$0x2], $0x80, s28, s19, $0xb8;
	[tilespmem:$0x1E000] =	vst v63  }
0x92: {  	_ =	swait.ge @!p2 [sflag:s2], $0x4000  }
0x93: {  	[sflag:s2] =	ssyncset.done @!p2 $0x0  }
0x94: {  	s8 =	simm.s32 @!p2 $0x80;
	[sflag:s2] =	ssyncadd.s32 @!p2 $0xFFFFC000  }
0x95: {  	[tilespmem:s0], [sflag:$0x1] =	stream.indirect.gather @!p2 [hbm4b:s4+s8], $0x80, s26, s8, $0xb8;
	[tilespmem:$0x1E000] =	vst v63  }
0x96: {  	_ =	swait.ge [sflag:s22], $0x4000  }
0x97: {  	[sflag:s22] =	ssyncset.done $0x0  }
0x98: {  	[sflag:s22] =	ssyncadd.s32 $0xFFFFC000  }
0x99: {  	_ =	swait.ge [sflag:s22], $0x4000  }
.Ltmp4:
0x9a: {  	[sflag:s22] =	ssyncset.done $0x0;
	(pc) =	sbr.rel @p1 .LBB2_8-.Ltmp4, $4  }
0x9b: {  	[sflag:s22] =	ssyncadd.s32 $0xFFFFC000  }
0x9c: {  	_ =	swait.ge [sflag:s22], $0x4000  }
0x9d: {  	[sflag:s22] =	ssyncset.done $0x0  }
0x9e: {  	[sflag:s22] =	ssyncadd.s32 $0xFFFFC000  }
.Ltmp5:
0x9f: {  	(pc) =	sbr.rel .LBB2_4-.Ltmp5, $4  }
0xa0: {  	s0 =	simm.s32 $0x3  }
0xa1: {  	_ =	swait.ge [sflag:s0], $0x1000  }
0xa2: {  	[sflag:s0] =	ssyncset.done $0x0  }
0xa3: {  	p0 =	por !p0, !p0;
	[sflag:s0] =	ssyncadd.s32 $0xFFFFF000  }
.LBB2_9:
0xa4: {  	_ =	sfence.sel $0x180000  }
0xa5: {  	[bflag:$0x0] =	sbarrier.arrive $0xFFFF  }
0xa6: {  	_ =	strace $0x9000004A  }
0xa7: {  	s0 =	stileid.u32;
	[bflag:$0x2] =	sbarrier.arrive $0xFFFF  }
0xa8: {  	p0 =	sne.s32 s0, $0x0;
	s0 =	rddreg [dreg:$0x2]  }
0xa9: {  	s0 =	sadd.s32 @!p0 $0x100000, s0  }
0xaa: {  	[sflag:s0] =	ssyncadd.tile.s32 @!p0 $0x1;
	_ =	shalt  }
.Lfunc_end2:
_tile_overlayer_lowered:
.L_overlay_start_2:
0xab: {  	(tag) =	ssettag $0x2  }
0xac: {  	s0 =	rddreg [dreg:$0x0];
	s2 =	stileid.u32  }
0xad: {  	s1 =	rddreg [dreg:$0x1];
	p0 =	sne.s32 s2, $0x0  }
0xae: {  	s3 =	rddreg [dreg:$0x2];
	[bflag:$0x3] =	sbarrier.arrive $0xFFFF;
	s2 =	simm.s32 @!p0 $0x1C04  }
0xaf: {  	[timem:s3], [sflag:s2] =	dma.local @!p0 [hbm:s0], s1  }
0xb0: {  	s0 =	simm.s32 @!p0 $0x4  }
0xb1: {  	_ =	swait.ge @!p0 [sflag:s0], s1  }
0xb2: {  	s1 =	ssub.s32 @!p0 $0x0, s1;
	[sflag:s0] =	ssyncset.done @!p0 $0x0  }
0xb3: {  	[sflag:s0] =	ssyncadd.s32 @!p0 s1  }
0xb4: {  	[bflag:$0x3] =	sbarrier.arrive $0xFFFF  }
0xb5: {  	_ =	shalt  }

</sc_bundles>
